<compile_context>
chip_gen: v7x
topology: tpu7x:2x2x1
jax: 0.10.2.dev20260603
libtpu: 0.0.44.dev20260713+nightly
codegen_flags: <defaults>
</compile_context>

<pallas_src>
import functools

import jax
import jax.numpy as jnp
from jax import lax
from jax.experimental import pallas as pl
from jax.experimental.pallas import tpu as pltpu
from jax.experimental.pallas import tpu_sc as plsc

_N = 10000
_E = 320000
_D = 128
_HH = 2048
_AUG = 144
_NSC = 2
_NTEC = 16
_NW = _NSC * _NTEC
_CHUNK = 128
_NCHUNK = 80
_EPAD = _NW * _NCHUNK * _CHUNK
_RPT = 632
_NACC = _RPT * _NTEC
_BLK = 1000



def _make_seg_body(aug):
  def _seg_body(table, sd, zrows, out, sxa, dxa, sxb, dxb,
                  buf0, buf1, acc, sga, sgb, ss, sia, sib):
      c = lax.axis_index("c")
      s = lax.axis_index("s")
      w = c * _NTEC + s
      pltpu.sync_copy(zrows, acc.at[pl.ds(s * _RPT, _RPT)])

      def fetch(i, h, sx, dx, sem):
          r = w * _NCHUNK + i * 8 + h * 4
          pltpu.async_copy(sd.at[0, pl.ds(r, 4)], sx, sem)
          pltpu.async_copy(sd.at[1, pl.ds(r, 4)], dx, sem)

      def fetch_w(i, h, sx, dx, sem):
          r = w * _NCHUNK + i * 8 + h * 4
          pltpu.make_async_copy(sd.at[0, pl.ds(r, 4)], sx, sem).wait()
          pltpu.make_async_copy(sd.at[1, pl.ds(r, 4)], dx, sem).wait()

      fetch(0, 0, sxa, dxa, sia)
      plsc.subcore_barrier()

      def gat(q, idx, buf, sem):
          pltpu.async_copy(table.at[idx.at[q]], buf, sem)

      def gat_w(q, idx, buf, sem):
          pltpu.make_async_copy(table.at[idx.at[q]], buf, sem).wait()

      def sca(q, idx, buf, sem):
          pltpu.async_copy(buf, acc.at[idx.at[q]], sem, add=True)

      def sca_w(q, idx, buf, sem):
          pltpu.make_async_copy(buf, acc.at[idx.at[q]], sem).wait()

      def body(i, carry):
          fetch_w(i, 0, sxa, dxa, sia)

          @pl.when(i > 0)
          def _():
              sca_w(3, dxb, buf1, ss)

          gat(0, sxa, buf0, sga)
          gat(1, sxa, buf1, sgb)
          fetch(i, 1, sxb, dxb, sib)
          gat_w(0, sxa, buf0, sga)
          sca(0, dxa, buf0, ss)
          gat_w(1, sxa, buf1, sgb)
          sca_w(0, dxa, buf0, ss)
          sca(1, dxa, buf1, ss)
          gat(2, sxa, buf0, sga)
          gat_w(2, sxa, buf0, sga)
          sca_w(1, dxa, buf1, ss)
          sca(2, dxa, buf0, ss)
          gat(3, sxa, buf1, sgb)
          fetch_w(i, 1, sxb, dxb, sib)
          gat_w(3, sxa, buf1, sgb)
          sca_w(2, dxa, buf0, ss)
          sca(3, dxa, buf1, ss)
          gat(0, sxb, buf0, sga)
          gat_w(0, sxb, buf0, sga)
          sca_w(3, dxa, buf1, ss)
          sca(0, dxb, buf0, ss)
          gat(1, sxb, buf1, sgb)

          @pl.when(i + 1 < _NCHUNK // 8)
          def _():
              fetch(i + 1, 0, sxa, dxa, sia)

          gat_w(1, sxb, buf1, sgb)
          sca_w(0, dxb, buf0, ss)
          sca(1, dxb, buf1, ss)
          gat(2, sxb, buf0, sga)
          gat_w(2, sxb, buf0, sga)
          sca_w(1, dxb, buf1, ss)
          sca(2, dxb, buf0, ss)
          gat(3, sxb, buf1, sgb)
          gat_w(3, sxb, buf1, sgb)
          sca_w(2, dxb, buf0, ss)
          sca(3, dxb, buf1, ss)
          return carry

      lax.fori_loop(0, _NCHUNK // 8, body, 0)
      sca_w(3, dxb, buf1, ss)
      plsc.subcore_barrier()
      pltpu.sync_copy(acc.at[pl.ds(s * _RPT, _RPT)],
                      out.at[c, pl.ds(s * _RPT, _RPT)])

  return _seg_body


@functools.cache
def _seg(aug, tc_tiling):
    return pl.kernel(
        _make_seg_body(aug),
        out_type=jax.ShapeDtypeStruct((_NSC, _NACC, aug), jnp.float32),
        mesh=plsc.VectorSubcoreMesh(core_axis_name="c", subcore_axis_name="s"),
        compiler_params=pltpu.CompilerParams(use_tc_tiling_on_sc=tc_tiling),
        scratch_types=[
            pltpu.VMEM((4, _CHUNK), jnp.int32),
            pltpu.VMEM((4, _CHUNK), jnp.int32),
            pltpu.VMEM((4, _CHUNK), jnp.int32),
            pltpu.VMEM((4, _CHUNK), jnp.int32),
            pltpu.VMEM((_CHUNK, aug), jnp.float32),
            pltpu.VMEM((_CHUNK, aug), jnp.float32),
            pltpu.VMEM_SHARED((_NACC, aug), jnp.float32),
            pltpu.SemaphoreType.DMA,
            pltpu.SemaphoreType.DMA,
            pltpu.SemaphoreType.DMA,
            pltpu.SemaphoreType.DMA,
            pltpu.SemaphoreType.DMA,
        ],
    )



def _ones_col(rows):
    col = lax.broadcasted_iota(jnp.int32, (rows, _AUG - _D), 1)
    return jnp.where(col == 0, 1.0, 0.0).astype(jnp.float32)


def _k1t_body(x_ref, wl_ref, t_ref):
    xb = x_ref[...]
    t = jnp.dot(xb, wl_ref[...], preferred_element_type=jnp.float32)
    t_ref[...] = jnp.concatenate([t, _ones_col(xb.shape[0])], axis=1)


def _k1r_body(x_ref, wr_ref, bl_ref, r_ref):
    r_ref[...] = (jnp.dot(x_ref[...], wr_ref[...],
                          preferred_element_type=jnp.float32) + bl_ref[...])


def _agg_h(p_ref, r_ref):
    p = p_ref[0] + p_ref[1]
    cnt = jnp.clip(p[:, _D:_D + 1], 1.0, None)
    return jnp.maximum(p[:, :_D] / cnt + r_ref[...], 0.0)


def _k2t_body(p_ref, r_ref, wl_ref, t_ref, h_ref):
    h = _agg_h(p_ref, r_ref)
    h_ref[...] = h
    t_ref[...] = jnp.dot(h, wl_ref[...], preferred_element_type=jnp.float32)


def _k3_body(p_ref, p1_ref, r_ref, fw_ref, fb_ref, o_ref):
    p = p_ref[0] + p_ref[1]
    cnt = jnp.clip(p1_ref[0, :, _D:_D + 1] + p1_ref[1, :, _D:_D + 1], 1.0,
                   None)
    h = jnp.maximum(p / cnt + r_ref[...], 0.0)
    o_ref[...] = (jnp.dot(h.astype(jnp.bfloat16), fw_ref[...],
                          preferred_element_type=jnp.float32) + fb_ref[...])


_GRID = _N // _BLK

_w_spec = pl.BlockSpec((_D, _D), lambda i: (0, 0))
_b_spec = pl.BlockSpec((1, _D), lambda i: (0, 0))
_row_spec = pl.BlockSpec((_BLK, _D), lambda i: (i, 0))
_aug_spec = pl.BlockSpec((_BLK, _AUG), lambda i: (i, 0))
_p_spec = pl.BlockSpec((_NSC, _BLK, _AUG), lambda i: (0, i, 0))
_p128_spec = pl.BlockSpec((_NSC, _BLK, _D), lambda i: (0, i, 0))

_k1t = pl.pallas_call(
    _k1t_body,
    grid=(_GRID,),
    in_specs=[_row_spec, _w_spec],
    out_specs=_aug_spec,
    out_shape=jax.ShapeDtypeStruct((_N, _AUG), jnp.float32),
)

_k1r = pl.pallas_call(
    _k1r_body,
    grid=(_GRID,),
    in_specs=[_row_spec, _w_spec, _b_spec],
    out_specs=_row_spec,
    out_shape=jax.ShapeDtypeStruct((_N, _D), jnp.float32),
)

_k2t = pl.pallas_call(
    _k2t_body,
    grid=(_GRID,),
    in_specs=[_p_spec, _row_spec, _w_spec],
    out_specs=[_row_spec, _row_spec],
    out_shape=[jax.ShapeDtypeStruct((_N, _D), jnp.float32),
               jax.ShapeDtypeStruct((_N, _D), jnp.float32)],
)

_k3 = pl.pallas_call(
    _k3_body,
    grid=(_GRID,),
    in_specs=[_p128_spec, _p_spec, _row_spec,
              pl.BlockSpec((_D, _HH), lambda i: (0, 0)),
              pl.BlockSpec((1, _HH), lambda i: (0, 0))],
    out_specs=pl.BlockSpec((_BLK, _HH), lambda i: (i, 0)),
    out_shape=jax.ShapeDtypeStruct((_N, _HH), jnp.float32),
)


def kernel(x, edge_index, W_l1, b_l1, W_r1, W_l2, b_l2, W_r2, fc_W, fc_b):
    npad = _EPAD - _E
    ar = jnp.arange(npad, dtype=jnp.int32)
    pad_src = (ar * 37) % _N
    pad_dst = _N + (ar % (_NACC - _N))
    pad = jnp.stack([pad_src, pad_dst])
    sd = jnp.concatenate([edge_index, pad], axis=1).reshape(
        2, _NW * _NCHUNK, _CHUNK)
    t1 = _k1t(x, W_l1)
    p1 = _seg(_AUG, False)(t1, sd, jnp.zeros((_RPT, _AUG), jnp.float32))
    r1 = _k1r(x, W_r1, b_l1.reshape(1, _D))
    t2, h1 = _k2t(p1, r1, W_l2)
    p2 = _seg(_D, True)(t2, sd, jnp.zeros((_RPT, _D), jnp.float32))
    r2 = _k1r(h1, W_r2, b_l2.reshape(1, _D))
    return _k3(p2, p1, r2, fc_W.astype(jnp.bfloat16), fc_b.reshape(1, _HH))

# --- scband reference (transcript-rebuilt; emitter-appended) ---
"""Pipeline reference for scband-household-assignment-gnn-90829968376535 (READ-ONLY COPY).

The authoritative reference and input builder live on the scoring server;
editing this copy changes nothing except your own understanding.
"""

import jax, jax.numpy as jnp
import numpy as np

N = 10000
E = 320000
D_IN = 128
D_H = 128
NUM_HH = 2048


def setup_inputs(seed: int = 0) -> dict:
    key = jax.random.key(seed)
    ks = jax.random.split(key, 12)
    x = jax.random.normal(ks[0], (N, D_IN), dtype=jnp.float32)
    edge_index = jax.random.randint(ks[1], (2, E), 0, N, dtype=jnp.int32)
    s1 = 1.0 / np.sqrt(D_IN)
    s2 = 1.0 / np.sqrt(D_H)
    W_l1 = jax.random.normal(ks[2], (D_IN, D_H), dtype=jnp.float32) * s1
    b_l1 = jnp.zeros((D_H,), dtype=jnp.float32)
    W_r1 = jax.random.normal(ks[3], (D_IN, D_H), dtype=jnp.float32) * s1
    W_l2 = jax.random.normal(ks[4], (D_H, D_H), dtype=jnp.float32) * s2
    b_l2 = jnp.zeros((D_H,), dtype=jnp.float32)
    W_r2 = jax.random.normal(ks[5], (D_H, D_H), dtype=jnp.float32) * s2
    fc_W = jax.random.normal(ks[6], (D_H, NUM_HH), dtype=jnp.float32) * s2
    fc_b = jnp.zeros((NUM_HH,), dtype=jnp.float32)
    return {"x": x, "edge_index": edge_index, "W_l1": W_l1, "b_l1": b_l1, "W_r1": W_r1,
            "W_l2": W_l2, "b_l2": b_l2, "W_r2": W_r2, "fc_W": fc_W, "fc_b": fc_b}


def _sage_conv(x, edge_index, W_l, b_l, W_r, num_nodes):
    # PyG SAGEConv with default mean aggregation:
    # out = lin_l(mean_{j in N(i)} x_j) + lin_r(x_i)
    src = edge_index[0]
    dst = edge_index[1]
    msg = jnp.take(x, src, axis=0)
    agg = jax.ops.segment_sum(msg, dst, num_segments=num_nodes)
    cnt = jax.ops.segment_sum(jnp.ones((edge_index.shape[1],), dtype=x.dtype), dst, num_segments=num_nodes)
    agg = agg / jnp.clip(cnt, 1.0)[:, None]
    return agg @ W_l + b_l + x @ W_r


def reference(x, edge_index, W_l1, b_l1, W_r1, W_l2, b_l2, W_r2, fc_W, fc_b):
    h = _sage_conv(x, edge_index, W_l1, b_l1, W_r1, N)
    h = jax.nn.relu(h)
    h = _sage_conv(h, edge_index, W_l2, b_l2, W_r2, N)
    h = jax.nn.relu(h)
    out = h @ fc_W + fc_b
    return out

if __name__ == "__main__":
    import jax
    _d = setup_inputs()
    print(jax.jit(kernel)(*tuple(_d.values())))

</pallas_src>

<mosaic_0001>
#map = affine_map<(d0, d1) -> (0, 0)>
#map1 = affine_map<(d0, d1) -> (0, 0, 0)>
module attributes {stable_mosaic.version = 14 : i64} {
  func.func @_seg_body(%arg0: i32, %arg1: i32, %arg2: memref<10000x144xf32, #tpu.memory_space<hbm>>, %arg3: memref<2x2560x128xi32, #tpu.memory_space<hbm>>, %arg4: memref<632x144xf32, #tpu.memory_space<hbm>>, %arg5: memref<2x10112x144xf32, #tpu.memory_space<hbm>>, %arg6: memref<4x128xi32, #tpu.memory_space<vmem>>, %arg7: memref<4x128xi32, #tpu.memory_space<vmem>>, %arg8: memref<4x128xi32, #tpu.memory_space<vmem>>, %arg9: memref<4x128xi32, #tpu.memory_space<vmem>>, %arg10: memref<128x144xf32, #tpu.memory_space<vmem>>, %arg11: memref<128x144xf32, #tpu.memory_space<vmem>>, %arg12: memref<10112x144xf32, #tpu.memory_space<vmem_shared>>, %arg13: memref<!tpu.dma_semaphore, #tpu.memory_space<semaphore_mem>>, %arg14: memref<!tpu.dma_semaphore, #tpu.memory_space<semaphore_mem>>, %arg15: memref<!tpu.dma_semaphore, #tpu.memory_space<semaphore_mem>>, %arg16: memref<!tpu.dma_semaphore, #tpu.memory_space<semaphore_mem>>, %arg17: memref<!tpu.dma_semaphore, #tpu.memory_space<semaphore_mem>>) attributes {dimension_semantics = [#tpu.dimension_semantics<core_parallel>, #tpu.dimension_semantics<subcore_parallel>], iteration_bounds = array<i64: 2, 16>, scalar_prefetch = 0 : i64, scratch_operands = 12 : i64, tpu.core_type = #tpu.core_type<sc_vector_subcore>, window_params = [{transform_indices = #map}, {transform_indices = #map1}, {transform_indices = #map}, {transform_indices = #map1}]} {
    %mul3A = arith.constant 16 : i32
    %mul3A_0 = arith.muli %arg0, %mul3A : i32
    %add3A = arith.addi %mul3A_0, %arg1 : i32
    %mul3A_1 = arith.constant 632 : i32
    %mul3A_2 = arith.muli %arg1, %mul3A_1 : i32
    "tpu.region"() ({
      %run_scoped3A = tpu.sem_alloc : memref<!tpu.dma_semaphore, #tpu.memory_space<semaphore_mem>>
      %dma_start3A_38 = arith.constant 0 : i32
      %dma_start3A_39 = tpu.memref_slice %arg12[%mul3A_2, %dma_start3A_38] : memref<10112x144xf32, #tpu.memory_space<vmem_shared>> -> memref<632x144xf32, #tpu.memory_space<vmem_shared>>
      tpu.enqueue_dma source(%arg4 : memref<632x144xf32, #tpu.memory_space<hbm>>) target(%dma_start3A_39 : memref<632x144xf32, #tpu.memory_space<vmem_shared>>) target_semaphore(%run_scoped3A : memref<!tpu.dma_semaphore, #tpu.memory_space<semaphore_mem>>)
      %dma_wait3A_40 = arith.constant 0 : i32
      %dma_wait3A_41 = tpu.memref_slice %arg12[%mul3A_2, %dma_wait3A_40] : memref<10112x144xf32, #tpu.memory_space<vmem_shared>> -> memref<632x144xf32, #tpu.memory_space<vmem_shared>>
      tpu.wait_dma2 semaphore(%run_scoped3A : memref<!tpu.dma_semaphore, #tpu.memory_space<semaphore_mem>>) src(%arg4 : memref<632x144xf32, #tpu.memory_space<hbm>>) dst(%dma_wait3A_41 : memref<632x144xf32, #tpu.memory_space<vmem_shared>>)
      tpu.yield
    }) : () -> ()
    %mul3A_3 = arith.constant 80 : i32
    %mul3A_4 = arith.muli %add3A, %mul3A_3 : i32
    %add3A_5 = arith.constant 0 : i32
    %add3A_6 = arith.addi %mul3A_4, %add3A_5 : i32
    %add3A_7 = arith.constant 0 : i32
    %add3A_8 = arith.addi %add3A_6, %add3A_7 : i32
    %dma_start3A = arith.constant 0 : i32
    %dma_start3A_9 = arith.constant 0 : i32
    %dma_start3A_10 = tpu.memref_slice %arg3[%dma_start3A, %add3A_8, %dma_start3A_9] : memref<2x2560x128xi32, #tpu.memory_space<hbm>> -> memref<1x4x128xi32, #tpu.memory_space<hbm>>
    %dma_start3A_11 = tpu.memref_squeeze %dma_start3A_10 : memref<1x4x128xi32, #tpu.memory_space<hbm>> -> memref<4x128xi32, #tpu.memory_space<hbm>>
    %dma_start3A_12 = arith.constant 0 : i32
    %dma_start3A_13 = tpu.memref_slice %arg3[%dma_start3A, %add3A_8, %dma_start3A_12] : memref<2x2560x128xi32, #tpu.memory_space<hbm>> -> memref<1x4x128xi32, #tpu.memory_space<hbm>>
    %dma_start3A_14 = tpu.memref_squeeze %dma_start3A_13 : memref<1x4x128xi32, #tpu.memory_space<hbm>> -> memref<4x128xi32, #tpu.memory_space<hbm>>
    tpu.enqueue_dma source(%dma_start3A_14 : memref<4x128xi32, #tpu.memory_space<hbm>>) target(%arg6 : memref<4x128xi32, #tpu.memory_space<vmem>>) target_semaphore(%arg16 : memref<!tpu.dma_semaphore, #tpu.memory_space<semaphore_mem>>)
    %dma_start3A_15 = arith.constant 1 : i32
    %dma_start3A_16 = arith.constant 0 : i32
    %dma_start3A_17 = tpu.memref_slice %arg3[%dma_start3A_15, %add3A_8, %dma_start3A_16] : memref<2x2560x128xi32, #tpu.memory_space<hbm>> -> memref<1x4x128xi32, #tpu.memory_space<hbm>>
    %dma_start3A_18 = tpu.memref_squeeze %dma_start3A_17 : memref<1x4x128xi32, #tpu.memory_space<hbm>> -> memref<4x128xi32, #tpu.memory_space<hbm>>
    %dma_start3A_19 = arith.constant 0 : i32
    %dma_start3A_20 = tpu.memref_slice %arg3[%dma_start3A_15, %add3A_8, %dma_start3A_19] : memref<2x2560x128xi32, #tpu.memory_space<hbm>> -> memref<1x4x128xi32, #tpu.memory_space<hbm>>
    %dma_start3A_21 = tpu.memref_squeeze %dma_start3A_20 : memref<1x4x128xi32, #tpu.memory_space<hbm>> -> memref<4x128xi32, #tpu.memory_space<hbm>>
    tpu.enqueue_dma source(%dma_start3A_21 : memref<4x128xi32, #tpu.memory_space<hbm>>) target(%arg7 : memref<4x128xi32, #tpu.memory_space<vmem>>) target_semaphore(%arg16 : memref<!tpu.dma_semaphore, #tpu.memory_space<semaphore_mem>>)
    %barrier3A = arith.constant 0 : index
    tpu.barrier barrier_id(%barrier3A)
    %scan3A = arith.constant 0 : i32
    %scan3A_22 = arith.constant 0 : i32
    %scan3A_23 = arith.constant 10 : i32
    %scan3A_24 = arith.addi %scan3A_22, %scan3A_23 : i32
    %scan3A_25 = arith.constant 1 : i32
    scf.for %scan3A_38 = %scan3A_22 to %scan3A_24 step %scan3A_25  : i32 {
      %mul3A_39 = arith.constant 80 : i32
      %mul3A_40 = arith.muli %add3A, %mul3A_39 : i32
      %mul3A_41 = arith.constant 8 : i32
      %mul3A_42 = arith.muli %scan3A_38, %mul3A_41 : i32
      %add3A_43 = arith.addi %mul3A_40, %mul3A_42 : i32
      %add3A_44 = arith.constant 0 : i32
      %add3A_45 = arith.addi %add3A_43, %add3A_44 : i32
      %dma_wait3A_46 = arith.constant 0 : i32
      %dma_wait3A_47 = arith.constant 0 : i32
      %dma_wait3A_48 = tpu.memref_slice %arg3[%dma_wait3A_46, %add3A_45, %dma_wait3A_47] : memref<2x2560x128xi32, #tpu.memory_space<hbm>> -> memref<1x4x128xi32, #tpu.memory_space<hbm>>
      %dma_wait3A_49 = tpu.memref_squeeze %dma_wait3A_48 : memref<1x4x128xi32, #tpu.memory_space<hbm>> -> memref<4x128xi32, #tpu.memory_space<hbm>>
      %dma_wait3A_50 = arith.constant 0 : i32
      %dma_wait3A_51 = tpu.memref_slice %arg3[%dma_wait3A_46, %add3A_45, %dma_wait3A_50] : memref<2x2560x128xi32, #tpu.memory_space<hbm>> -> memref<1x4x128xi32, #tpu.memory_space<hbm>>
      %dma_wait3A_52 = tpu.memref_squeeze %dma_wait3A_51 : memref<1x4x128xi32, #tpu.memory_space<hbm>> -> memref<4x128xi32, #tpu.memory_space<hbm>>
      tpu.wait_dma2 semaphore(%arg16 : memref<!tpu.dma_semaphore, #tpu.memory_space<semaphore_mem>>) src(%dma_wait3A_52 : memref<4x128xi32, #tpu.memory_space<hbm>>) dst(%arg6 : memref<4x128xi32, #tpu.memory_space<vmem>>)
      %dma_wait3A_53 = arith.constant 1 : i32
      %dma_wait3A_54 = arith.constant 0 : i32
      %dma_wait3A_55 = tpu.memref_slice %arg3[%dma_wait3A_53, %add3A_45, %dma_wait3A_54] : memref<2x2560x128xi32, #tpu.memory_space<hbm>> -> memref<1x4x128xi32, #tpu.memory_space<hbm>>
      %dma_wait3A_56 = tpu.memref_squeeze %dma_wait3A_55 : memref<1x4x128xi32, #tpu.memory_space<hbm>> -> memref<4x128xi32, #tpu.memory_space<hbm>>
      %dma_wait3A_57 = arith.constant 0 : i32
      %dma_wait3A_58 = tpu.memref_slice %arg3[%dma_wait3A_53, %add3A_45, %dma_wait3A_57] : memref<2x2560x128xi32, #tpu.memory_space<hbm>> -> memref<1x4x128xi32, #tpu.memory_space<hbm>>
      %dma_wait3A_59 = tpu.memref_squeeze %dma_wait3A_58 : memref<1x4x128xi32, #tpu.memory_space<hbm>> -> memref<4x128xi32, #tpu.memory_space<hbm>>
      tpu.wait_dma2 semaphore(%arg16 : memref<!tpu.dma_semaphore, #tpu.memory_space<semaphore_mem>>) src(%dma_wait3A_59 : memref<4x128xi32, #tpu.memory_space<hbm>>) dst(%arg7 : memref<4x128xi32, #tpu.memory_space<vmem>>)
      %gt3A = arith.constant 0 : i32
      %gt3A_60 = arith.cmpi sgt, %scan3A_38, %gt3A : i32
      %convert_element_type3A = arith.extui %gt3A_60 : i1 to i32
      %cond3A = arith.constant 0 : i32
      %cond3A_61 = arith.cmpi ne, %convert_element_type3A, %cond3A : i32
      scf.if %cond3A_61 {
        %dma_wait3A_327 = arith.constant 3 : i32
        %dma_wait3A_328 = arith.constant 0 : i32
        %dma_wait3A_329 = tpu.memref_slice %arg9[%dma_wait3A_327, %dma_wait3A_328] : memref<4x128xi32, #tpu.memory_space<vmem>> -> memref<1x128xi32, #tpu.memory_space<vmem>>
        %dma_wait3A_330 = tpu.memref_squeeze %dma_wait3A_329 : memref<1x128xi32, #tpu.memory_space<vmem>> -> memref<128xi32, #tpu.memory_space<vmem>>
        %dma_wait3A_331 = arith.constant 0 : i32
        %dma_wait3A_332 = arith.constant 0 : i32
        %dma_wait3A_333 = tpu.memref_slice %arg12[%dma_wait3A_331, %dma_wait3A_332] : memref<10112x144xf32, #tpu.memory_space<vmem_shared>> -> memref<10112x144xf32, #tpu.memory_space<vmem_shared>>
        tpu.wait_indirect_dma semaphore(%arg15 : memref<!tpu.dma_semaphore, #tpu.memory_space<semaphore_mem>>) src(%arg11 : memref<128x144xf32, #tpu.memory_space<vmem>>) dst(%dma_wait3A_333 : memref<10112x144xf32, #tpu.memory_space<vmem_shared>>)
      } else {
      }
      %dma_start3A_62 = arith.constant 0 : i32
      %dma_start3A_63 = arith.constant 0 : i32
      %dma_start3A_64 = tpu.memref_slice %arg6[%dma_start3A_62, %dma_start3A_63] : memref<4x128xi32, #tpu.memory_space<vmem>> -> memref<1x128xi32, #tpu.memory_space<vmem>>
      %dma_start3A_65 = tpu.memref_squeeze %dma_start3A_64 : memref<1x128xi32, #tpu.memory_space<vmem>> -> memref<128xi32, #tpu.memory_space<vmem>>
      %dma_start3A_66 = arith.constant 0 : i32
      %dma_start3A_67 = arith.constant 0 : i32
      %dma_start3A_68 = tpu.memref_slice %arg2[%dma_start3A_66, %dma_start3A_67] : memref<10000x144xf32, #tpu.memory_space<hbm>> -> memref<10000x144xf32, #tpu.memory_space<hbm>>
      tpu.enqueue_indirect_dma source(%dma_start3A_68 : memref<10000x144xf32, #tpu.memory_space<hbm>>) target(%arg10 : memref<128x144xf32, #tpu.memory_space<vmem>>) offsets(%dma_start3A_65 : memref<128xi32, #tpu.memory_space<vmem>>) semaphore(%arg13 : memref<!tpu.dma_semaphore, #tpu.memory_space<semaphore_mem>>)
      %dma_start3A_69 = arith.constant 1 : i32
      %dma_start3A_70 = arith.constant 0 : i32
      %dma_start3A_71 = tpu.memref_slice %arg6[%dma_start3A_69, %dma_start3A_70] : memref<4x128xi32, #tpu.memory_space<vmem>> -> memref<1x128xi32, #tpu.memory_space<vmem>>
      %dma_start3A_72 = tpu.memref_squeeze %dma_start3A_71 : memref<1x128xi32, #tpu.memory_space<vmem>> -> memref<128xi32, #tpu.memory_space<vmem>>
      %dma_start3A_73 = arith.constant 0 : i32
      %dma_start3A_74 = arith.constant 0 : i32
      %dma_start3A_75 = tpu.memref_slice %arg2[%dma_start3A_73, %dma_start3A_74] : memref<10000x144xf32, #tpu.memory_space<hbm>> -> memref<10000x144xf32, #tpu.memory_space<hbm>>
      tpu.enqueue_indirect_dma source(%dma_start3A_75 : memref<10000x144xf32, #tpu.memory_space<hbm>>) target(%arg11 : memref<128x144xf32, #tpu.memory_space<vmem>>) offsets(%dma_start3A_72 : memref<128xi32, #tpu.memory_space<vmem>>) semaphore(%arg14 : memref<!tpu.dma_semaphore, #tpu.memory_space<semaphore_mem>>)
      %mul3A_76 = arith.constant 80 : i32
      %mul3A_77 = arith.muli %add3A, %mul3A_76 : i32
      %mul3A_78 = arith.constant 8 : i32
      %mul3A_79 = arith.muli %scan3A_38, %mul3A_78 : i32
      %add3A_80 = arith.addi %mul3A_77, %mul3A_79 : i32
      %add3A_81 = arith.constant 4 : i32
      %add3A_82 = arith.addi %add3A_80, %add3A_81 : i32
      %dma_start3A_83 = arith.constant 0 : i32
      %dma_start3A_84 = arith.constant 0 : i32
      %dma_start3A_85 = tpu.memref_slice %arg3[%dma_start3A_83, %add3A_82, %dma_start3A_84] : memref<2x2560x128xi32, #tpu.memory_space<hbm>> -> memref<1x4x128xi32, #tpu.memory_space<hbm>>
      %dma_start3A_86 = tpu.memref_squeeze %dma_start3A_85 : memref<1x4x128xi32, #tpu.memory_space<hbm>> -> memref<4x128xi32, #tpu.memory_space<hbm>>
      %dma_start3A_87 = arith.constant 0 : i32
      %dma_start3A_88 = tpu.memref_slice %arg3[%dma_start3A_83, %add3A_82, %dma_start3A_87] : memref<2x2560x128xi32, #tpu.memory_space<hbm>> -> memref<1x4x128xi32, #tpu.memory_space<hbm>>
      %dma_start3A_89 = tpu.memref_squeeze %dma_start3A_88 : memref<1x4x128xi32, #tpu.memory_space<hbm>> -> memref<4x128xi32, #tpu.memory_space<hbm>>
      tpu.enqueue_dma source(%dma_start3A_89 : memref<4x128xi32, #tpu.memory_space<hbm>>) target(%arg8 : memref<4x128xi32, #tpu.memory_space<vmem>>) target_semaphore(%arg17 : memref<!tpu.dma_semaphore, #tpu.memory_space<semaphore_mem>>)
      %dma_start3A_90 = arith.constant 1 : i32
      %dma_start3A_91 = arith.constant 0 : i32
      %dma_start3A_92 = tpu.memref_slice %arg3[%dma_start3A_90, %add3A_82, %dma_start3A_91] : memref<2x2560x128xi32, #tpu.memory_space<hbm>> -> memref<1x4x128xi32, #tpu.memory_space<hbm>>
      %dma_start3A_93 = tpu.memref_squeeze %dma_start3A_92 : memref<1x4x128xi32, #tpu.memory_space<hbm>> -> memref<4x128xi32, #tpu.memory_space<hbm>>
      %dma_start3A_94 = arith.constant 0 : i32
      %dma_start3A_95 = tpu.memref_slice %arg3[%dma_start3A_90, %add3A_82, %dma_start3A_94] : memref<2x2560x128xi32, #tpu.memory_space<hbm>> -> memref<1x4x128xi32, #tpu.memory_space<hbm>>
      %dma_start3A_96 = tpu.memref_squeeze %dma_start3A_95 : memref<1x4x128xi32, #tpu.memory_space<hbm>> -> memref<4x128xi32, #tpu.memory_space<hbm>>
      tpu.enqueue_dma source(%dma_start3A_96 : memref<4x128xi32, #tpu.memory_space<hbm>>) target(%arg9 : memref<4x128xi32, #tpu.memory_space<vmem>>) target_semaphore(%arg17 : memref<!tpu.dma_semaphore, #tpu.memory_space<semaphore_mem>>)
      %dma_wait3A_97 = arith.constant 0 : i32
      %dma_wait3A_98 = arith.constant 0 : i32
      %dma_wait3A_99 = tpu.memref_slice %arg6[%dma_wait3A_97, %dma_wait3A_98] : memref<4x128xi32, #tpu.memory_space<vmem>> -> memref<1x128xi32, #tpu.memory_space<vmem>>
      %dma_wait3A_100 = tpu.memref_squeeze %dma_wait3A_99 : memref<1x128xi32, #tpu.memory_space<vmem>> -> memref<128xi32, #tpu.memory_space<vmem>>
      %dma_wait3A_101 = arith.constant 0 : i32
      %dma_wait3A_102 = arith.constant 0 : i32
      %dma_wait3A_103 = tpu.memref_slice %arg2[%dma_wait3A_101, %dma_wait3A_102] : memref<10000x144xf32, #tpu.memory_space<hbm>> -> memref<10000x144xf32, #tpu.memory_space<hbm>>
      tpu.wait_indirect_dma semaphore(%arg13 : memref<!tpu.dma_semaphore, #tpu.memory_space<semaphore_mem>>) src(%dma_wait3A_103 : memref<10000x144xf32, #tpu.memory_space<hbm>>) dst(%arg10 : memref<128x144xf32, #tpu.memory_space<vmem>>)
      %dma_start3A_104 = arith.constant 0 : i32
      %dma_start3A_105 = arith.constant 0 : i32
      %dma_start3A_106 = tpu.memref_slice %arg7[%dma_start3A_104, %dma_start3A_105] : memref<4x128xi32, #tpu.memory_space<vmem>> -> memref<1x128xi32, #tpu.memory_space<vmem>>
      %dma_start3A_107 = tpu.memref_squeeze %dma_start3A_106 : memref<1x128xi32, #tpu.memory_space<vmem>> -> memref<128xi32, #tpu.memory_space<vmem>>
      %dma_start3A_108 = arith.constant 0 : i32
      %dma_start3A_109 = arith.constant 0 : i32
      %dma_start3A_110 = tpu.memref_slice %arg12[%dma_start3A_108, %dma_start3A_109] : memref<10112x144xf32, #tpu.memory_space<vmem_shared>> -> memref<10112x144xf32, #tpu.memory_space<vmem_shared>>
      tpu.enqueue_indirect_dma source(%arg10 : memref<128x144xf32, #tpu.memory_space<vmem>>) target(%dma_start3A_110 : memref<10112x144xf32, #tpu.memory_space<vmem_shared>>) offsets(%dma_start3A_107 : memref<128xi32, #tpu.memory_space<vmem>>) semaphore(%arg15 : memref<!tpu.dma_semaphore, #tpu.memory_space<semaphore_mem>>) {add = true}
      %dma_wait3A_111 = arith.constant 1 : i32
      %dma_wait3A_112 = arith.constant 0 : i32
      %dma_wait3A_113 = tpu.memref_slice %arg6[%dma_wait3A_111, %dma_wait3A_112] : memref<4x128xi32, #tpu.memory_space<vmem>> -> memref<1x128xi32, #tpu.memory_space<vmem>>
      %dma_wait3A_114 = tpu.memref_squeeze %dma_wait3A_113 : memref<1x128xi32, #tpu.memory_space<vmem>> -> memref<128xi32, #tpu.memory_space<vmem>>
      %dma_wait3A_115 = arith.constant 0 : i32
      %dma_wait3A_116 = arith.constant 0 : i32
      %dma_wait3A_117 = tpu.memref_slice %arg2[%dma_wait3A_115, %dma_wait3A_116] : memref<10000x144xf32, #tpu.memory_space<hbm>> -> memref<10000x144xf32, #tpu.memory_space<hbm>>
      tpu.wait_indirect_dma semaphore(%arg14 : memref<!tpu.dma_semaphore, #tpu.memory_space<semaphore_mem>>) src(%dma_wait3A_117 : memref<10000x144xf32, #tpu.memory_space<hbm>>) dst(%arg11 : memref<128x144xf32, #tpu.memory_space<vmem>>)
      %dma_wait3A_118 = arith.constant 0 : i32
      %dma_wait3A_119 = arith.constant 0 : i32
      %dma_wait3A_120 = tpu.memref_slice %arg7[%dma_wait3A_118, %dma_wait3A_119] : memref<4x128xi32, #tpu.memory_space<vmem>> -> memref<1x128xi32, #tpu.memory_space<vmem>>
      %dma_wait3A_121 = tpu.memref_squeeze %dma_wait3A_120 : memref<1x128xi32, #tpu.memory_space<vmem>> -> memref<128xi32, #tpu.memory_space<vmem>>
      %dma_wait3A_122 = arith.constant 0 : i32
      %dma_wait3A_123 = arith.constant 0 : i32
      %dma_wait3A_124 = tpu.memref_slice %arg12[%dma_wait3A_122, %dma_wait3A_123] : memref<10112x144xf32, #tpu.memory_space<vmem_shared>> -> memref<10112x144xf32, #tpu.memory_space<vmem_shared>>
      tpu.wait_indirect_dma semaphore(%arg15 : memref<!tpu.dma_semaphore, #tpu.memory_space<semaphore_mem>>) src(%arg10 : memref<128x144xf32, #tpu.memory_space<vmem>>) dst(%dma_wait3A_124 : memref<10112x144xf32, #tpu.memory_space<vmem_shared>>)
      %dma_start3A_125 = arith.constant 1 : i32
      %dma_start3A_126 = arith.constant 0 : i32
      %dma_start3A_127 = tpu.memref_slice %arg7[%dma_start3A_125, %dma_start3A_126] : memref<4x128xi32, #tpu.memory_space<vmem>> -> memref<1x128xi32, #tpu.memory_space<vmem>>
      %dma_start3A_128 = tpu.memref_squeeze %dma_start3A_127 : memref<1x128xi32, #tpu.memory_space<vmem>> -> memref<128xi32, #tpu.memory_space<vmem>>
      %dma_start3A_129 = arith.constant 0 : i32
      %dma_start3A_130 = arith.constant 0 : i32
      %dma_start3A_131 = tpu.memref_slice %arg12[%dma_start3A_129, %dma_start3A_130] : memref<10112x144xf32, #tpu.memory_space<vmem_shared>> -> memref<10112x144xf32, #tpu.memory_space<vmem_shared>>
      tpu.enqueue_indirect_dma source(%arg11 : memref<128x144xf32, #tpu.memory_space<vmem>>) target(%dma_start3A_131 : memref<10112x144xf32, #tpu.memory_space<vmem_shared>>) offsets(%dma_start3A_128 : memref<128xi32, #tpu.memory_space<vmem>>) semaphore(%arg15 : memref<!tpu.dma_semaphore, #tpu.memory_space<semaphore_mem>>) {add = true}
      %dma_start3A_132 = arith.constant 2 : i32
      %dma_start3A_133 = arith.constant 0 : i32
      %dma_start3A_134 = tpu.memref_slice %arg6[%dma_start3A_132, %dma_start3A_133] : memref<4x128xi32, #tpu.memory_space<vmem>> -> memref<1x128xi32, #tpu.memory_space<vmem>>
      %dma_start3A_135 = tpu.memref_squeeze %dma_start3A_134 : memref<1x128xi32, #tpu.memory_space<vmem>> -> memref<128xi32, #tpu.memory_space<vmem>>
      %dma_start3A_136 = arith.constant 0 : i32
      %dma_start3A_137 = arith.constant 0 : i32
      %dma_start3A_138 = tpu.memref_slice %arg2[%dma_start3A_136, %dma_start3A_137] : memref<10000x144xf32, #tpu.memory_space<hbm>> -> memref<10000x144xf32, #tpu.memory_space<hbm>>
      tpu.enqueue_indirect_dma source(%dma_start3A_138 : memref<10000x144xf32, #tpu.memory_space<hbm>>) target(%arg10 : memref<128x144xf32, #tpu.memory_space<vmem>>) offsets(%dma_start3A_135 : memref<128xi32, #tpu.memory_space<vmem>>) semaphore(%arg13 : memref<!tpu.dma_semaphore, #tpu.memory_space<semaphore_mem>>)
      %dma_wait3A_139 = arith.constant 2 : i32
      %dma_wait3A_140 = arith.constant 0 : i32
      %dma_wait3A_141 = tpu.memref_slice %arg6[%dma_wait3A_139, %dma_wait3A_140] : memref<4x128xi32, #tpu.memory_space<vmem>> -> memref<1x128xi32, #tpu.memory_space<vmem>>
      %dma_wait3A_142 = tpu.memref_squeeze %dma_wait3A_141 : memref<1x128xi32, #tpu.memory_space<vmem>> -> memref<128xi32, #tpu.memory_space<vmem>>
      %dma_wait3A_143 = arith.constant 0 : i32
      %dma_wait3A_144 = arith.constant 0 : i32
      %dma_wait3A_145 = tpu.memref_slice %arg2[%dma_wait3A_143, %dma_wait3A_144] : memref<10000x144xf32, #tpu.memory_space<hbm>> -> memref<10000x144xf32, #tpu.memory_space<hbm>>
      tpu.wait_indirect_dma semaphore(%arg13 : memref<!tpu.dma_semaphore, #tpu.memory_space<semaphore_mem>>) src(%dma_wait3A_145 : memref<10000x144xf32, #tpu.memory_space<hbm>>) dst(%arg10 : memref<128x144xf32, #tpu.memory_space<vmem>>)
      %dma_wait3A_146 = arith.constant 1 : i32
      %dma_wait3A_147 = arith.constant 0 : i32
      %dma_wait3A_148 = tpu.memref_slice %arg7[%dma_wait3A_146, %dma_wait3A_147] : memref<4x128xi32, #tpu.memory_space<vmem>> -> memref<1x128xi32, #tpu.memory_space<vmem>>
      %dma_wait3A_149 = tpu.memref_squeeze %dma_wait3A_148 : memref<1x128xi32, #tpu.memory_space<vmem>> -> memref<128xi32, #tpu.memory_space<vmem>>
      %dma_wait3A_150 = arith.constant 0 : i32
      %dma_wait3A_151 = arith.constant 0 : i32
      %dma_wait3A_152 = tpu.memref_slice %arg12[%dma_wait3A_150, %dma_wait3A_151] : memref<10112x144xf32, #tpu.memory_space<vmem_shared>> -> memref<10112x144xf32, #tpu.memory_space<vmem_shared>>
      tpu.wait_indirect_dma semaphore(%arg15 : memref<!tpu.dma_semaphore, #tpu.memory_space<semaphore_mem>>) src(%arg11 : memref<128x144xf32, #tpu.memory_space<vmem>>) dst(%dma_wait3A_152 : memref<10112x144xf32, #tpu.memory_space<vmem_shared>>)
      %dma_start3A_153 = arith.constant 2 : i32
      %dma_start3A_154 = arith.constant 0 : i32
      %dma_start3A_155 = tpu.memref_slice %arg7[%dma_start3A_153, %dma_start3A_154] : memref<4x128xi32, #tpu.memory_space<vmem>> -> memref<1x128xi32, #tpu.memory_space<vmem>>
      %dma_start3A_156 = tpu.memref_squeeze %dma_start3A_155 : memref<1x128xi32, #tpu.memory_space<vmem>> -> memref<128xi32, #tpu.memory_space<vmem>>
      %dma_start3A_157 = arith.constant 0 : i32
      %dma_start3A_158 = arith.constant 0 : i32
      %dma_start3A_159 = tpu.memref_slice %arg12[%dma_start3A_157, %dma_start3A_158] : memref<10112x144xf32, #tpu.memory_space<vmem_shared>> -> memref<10112x144xf32, #tpu.memory_space<vmem_shared>>
      tpu.enqueue_indirect_dma source(%arg10 : memref<128x144xf32, #tpu.memory_space<vmem>>) target(%dma_start3A_159 : memref<10112x144xf32, #tpu.memory_space<vmem_shared>>) offsets(%dma_start3A_156 : memref<128xi32, #tpu.memory_space<vmem>>) semaphore(%arg15 : memref<!tpu.dma_semaphore, #tpu.memory_space<semaphore_mem>>) {add = true}
      %dma_start3A_160 = arith.constant 3 : i32
      %dma_start3A_161 = arith.constant 0 : i32
      %dma_start3A_162 = tpu.memref_slice %arg6[%dma_start3A_160, %dma_start3A_161] : memref<4x128xi32, #tpu.memory_space<vmem>> -> memref<1x128xi32, #tpu.memory_space<vmem>>
      %dma_start3A_163 = tpu.memref_squeeze %dma_start3A_162 : memref<1x128xi32, #tpu.memory_space<vmem>> -> memref<128xi32, #tpu.memory_space<vmem>>
      %dma_start3A_164 = arith.constant 0 : i32
      %dma_start3A_165 = arith.constant 0 : i32
      %dma_start3A_166 = tpu.memref_slice %arg2[%dma_start3A_164, %dma_start3A_165] : memref<10000x144xf32, #tpu.memory_space<hbm>> -> memref<10000x144xf32, #tpu.memory_space<hbm>>
      tpu.enqueue_indirect_dma source(%dma_start3A_166 : memref<10000x144xf32, #tpu.memory_space<hbm>>) target(%arg11 : memref<128x144xf32, #tpu.memory_space<vmem>>) offsets(%dma_start3A_163 : memref<128xi32, #tpu.memory_space<vmem>>) semaphore(%arg14 : memref<!tpu.dma_semaphore, #tpu.memory_space<semaphore_mem>>)
      %mul3A_167 = arith.constant 80 : i32
      %mul3A_168 = arith.muli %add3A, %mul3A_167 : i32
      %mul3A_169 = arith.constant 8 : i32
      %mul3A_170 = arith.muli %scan3A_38, %mul3A_169 : i32
      %add3A_171 = arith.addi %mul3A_168, %mul3A_170 : i32
      %add3A_172 = arith.constant 4 : i32
      %add3A_173 = arith.addi %add3A_171, %add3A_172 : i32
      %dma_wait3A_174 = arith.constant 0 : i32
      %dma_wait3A_175 = arith.constant 0 : i32
      %dma_wait3A_176 = tpu.memref_slice %arg3[%dma_wait3A_174, %add3A_173, %dma_wait3A_175] : memref<2x2560x128xi32, #tpu.memory_space<hbm>> -> memref<1x4x128xi32, #tpu.memory_space<hbm>>
      %dma_wait3A_177 = tpu.memref_squeeze %dma_wait3A_176 : memref<1x4x128xi32, #tpu.memory_space<hbm>> -> memref<4x128xi32, #tpu.memory_space<hbm>>
      %dma_wait3A_178 = arith.constant 0 : i32
      %dma_wait3A_179 = tpu.memref_slice %arg3[%dma_wait3A_174, %add3A_173, %dma_wait3A_178] : memref<2x2560x128xi32, #tpu.memory_space<hbm>> -> memref<1x4x128xi32, #tpu.memory_space<hbm>>
      %dma_wait3A_180 = tpu.memref_squeeze %dma_wait3A_179 : memref<1x4x128xi32, #tpu.memory_space<hbm>> -> memref<4x128xi32, #tpu.memory_space<hbm>>
      tpu.wait_dma2 semaphore(%arg17 : memref<!tpu.dma_semaphore, #tpu.memory_space<semaphore_mem>>) src(%dma_wait3A_180 : memref<4x128xi32, #tpu.memory_space<hbm>>) dst(%arg8 : memref<4x128xi32, #tpu.memory_space<vmem>>)
      %dma_wait3A_181 = arith.constant 1 : i32
      %dma_wait3A_182 = arith.constant 0 : i32
      %dma_wait3A_183 = tpu.memref_slice %arg3[%dma_wait3A_181, %add3A_173, %dma_wait3A_182] : memref<2x2560x128xi32, #tpu.memory_space<hbm>> -> memref<1x4x128xi32, #tpu.memory_space<hbm>>
      %dma_wait3A_184 = tpu.memref_squeeze %dma_wait3A_183 : memref<1x4x128xi32, #tpu.memory_space<hbm>> -> memref<4x128xi32, #tpu.memory_space<hbm>>
      %dma_wait3A_185 = arith.constant 0 : i32
      %dma_wait3A_186 = tpu.memref_slice %arg3[%dma_wait3A_181, %add3A_173, %dma_wait3A_185] : memref<2x2560x128xi32, #tpu.memory_space<hbm>> -> memref<1x4x128xi32, #tpu.memory_space<hbm>>
      %dma_wait3A_187 = tpu.memref_squeeze %dma_wait3A_186 : memref<1x4x128xi32, #tpu.memory_space<hbm>> -> memref<4x128xi32, #tpu.memory_space<hbm>>
      tpu.wait_dma2 semaphore(%arg17 : memref<!tpu.dma_semaphore, #tpu.memory_space<semaphore_mem>>) src(%dma_wait3A_187 : memref<4x128xi32, #tpu.memory_space<hbm>>) dst(%arg9 : memref<4x128xi32, #tpu.memory_space<vmem>>)
      %dma_wait3A_188 = arith.constant 3 : i32
      %dma_wait3A_189 = arith.constant 0 : i32
      %dma_wait3A_190 = tpu.memref_slice %arg6[%dma_wait3A_188, %dma_wait3A_189] : memref<4x128xi32, #tpu.memory_space<vmem>> -> memref<1x128xi32, #tpu.memory_space<vmem>>
      %dma_wait3A_191 = tpu.memref_squeeze %dma_wait3A_190 : memref<1x128xi32, #tpu.memory_space<vmem>> -> memref<128xi32, #tpu.memory_space<vmem>>
      %dma_wait3A_192 = arith.constant 0 : i32
      %dma_wait3A_193 = arith.constant 0 : i32
      %dma_wait3A_194 = tpu.memref_slice %arg2[%dma_wait3A_192, %dma_wait3A_193] : memref<10000x144xf32, #tpu.memory_space<hbm>> -> memref<10000x144xf32, #tpu.memory_space<hbm>>
      tpu.wait_indirect_dma semaphore(%arg14 : memref<!tpu.dma_semaphore, #tpu.memory_space<semaphore_mem>>) src(%dma_wait3A_194 : memref<10000x144xf32, #tpu.memory_space<hbm>>) dst(%arg11 : memref<128x144xf32, #tpu.memory_space<vmem>>)
      %dma_wait3A_195 = arith.constant 2 : i32
      %dma_wait3A_196 = arith.constant 0 : i32
      %dma_wait3A_197 = tpu.memref_slice %arg7[%dma_wait3A_195, %dma_wait3A_196] : memref<4x128xi32, #tpu.memory_space<vmem>> -> memref<1x128xi32, #tpu.memory_space<vmem>>
      %dma_wait3A_198 = tpu.memref_squeeze %dma_wait3A_197 : memref<1x128xi32, #tpu.memory_space<vmem>> -> memref<128xi32, #tpu.memory_space<vmem>>
      %dma_wait3A_199 = arith.constant 0 : i32
      %dma_wait3A_200 = arith.constant 0 : i32
      %dma_wait3A_201 = tpu.memref_slice %arg12[%dma_wait3A_199, %dma_wait3A_200] : memref<10112x144xf32, #tpu.memory_space<vmem_shared>> -> memref<10112x144xf32, #tpu.memory_space<vmem_shared>>
      tpu.wait_indirect_dma semaphore(%arg15 : memref<!tpu.dma_semaphore, #tpu.memory_space<semaphore_mem>>) src(%arg10 : memref<128x144xf32, #tpu.memory_space<vmem>>) dst(%dma_wait3A_201 : memref<10112x144xf32, #tpu.memory_space<vmem_shared>>)
      %dma_start3A_202 = arith.constant 3 : i32
      %dma_start3A_203 = arith.constant 0 : i32
      %dma_start3A_204 = tpu.memref_slice %arg7[%dma_start3A_202, %dma_start3A_203] : memref<4x128xi32, #tpu.memory_space<vmem>> -> memref<1x128xi32, #tpu.memory_space<vmem>>
      %dma_start3A_205 = tpu.memref_squeeze %dma_start3A_204 : memref<1x128xi32, #tpu.memory_space<vmem>> -> memref<128xi32, #tpu.memory_space<vmem>>
      %dma_start3A_206 = arith.constant 0 : i32
      %dma_start3A_207 = arith.constant 0 : i32
      %dma_start3A_208 = tpu.memref_slice %arg12[%dma_start3A_206, %dma_start3A_207] : memref<10112x144xf32, #tpu.memory_space<vmem_shared>> -> memref<10112x144xf32, #tpu.memory_space<vmem_shared>>
      tpu.enqueue_indirect_dma source(%arg11 : memref<128x144xf32, #tpu.memory_space<vmem>>) target(%dma_start3A_208 : memref<10112x144xf32, #tpu.memory_space<vmem_shared>>) offsets(%dma_start3A_205 : memref<128xi32, #tpu.memory_space<vmem>>) semaphore(%arg15 : memref<!tpu.dma_semaphore, #tpu.memory_space<semaphore_mem>>) {add = true}
      %dma_start3A_209 = arith.constant 0 : i32
      %dma_start3A_210 = arith.constant 0 : i32
      %dma_start3A_211 = tpu.memref_slice %arg8[%dma_start3A_209, %dma_start3A_210] : memref<4x128xi32, #tpu.memory_space<vmem>> -> memref<1x128xi32, #tpu.memory_space<vmem>>
      %dma_start3A_212 = tpu.memref_squeeze %dma_start3A_211 : memref<1x128xi32, #tpu.memory_space<vmem>> -> memref<128xi32, #tpu.memory_space<vmem>>
      %dma_start3A_213 = arith.constant 0 : i32
      %dma_start3A_214 = arith.constant 0 : i32
      %dma_start3A_215 = tpu.memref_slice %arg2[%dma_start3A_213, %dma_start3A_214] : memref<10000x144xf32, #tpu.memory_space<hbm>> -> memref<10000x144xf32, #tpu.memory_space<hbm>>
      tpu.enqueue_indirect_dma source(%dma_start3A_215 : memref<10000x144xf32, #tpu.memory_space<hbm>>) target(%arg10 : memref<128x144xf32, #tpu.memory_space<vmem>>) offsets(%dma_start3A_212 : memref<128xi32, #tpu.memory_space<vmem>>) semaphore(%arg13 : memref<!tpu.dma_semaphore, #tpu.memory_space<semaphore_mem>>)
      %dma_wait3A_216 = arith.constant 0 : i32
      %dma_wait3A_217 = arith.constant 0 : i32
      %dma_wait3A_218 = tpu.memref_slice %arg8[%dma_wait3A_216, %dma_wait3A_217] : memref<4x128xi32, #tpu.memory_space<vmem>> -> memref<1x128xi32, #tpu.memory_space<vmem>>
      %dma_wait3A_219 = tpu.memref_squeeze %dma_wait3A_218 : memref<1x128xi32, #tpu.memory_space<vmem>> -> memref<128xi32, #tpu.memory_space<vmem>>
      %dma_wait3A_220 = arith.constant 0 : i32
      %dma_wait3A_221 = arith.constant 0 : i32
      %dma_wait3A_222 = tpu.memref_slice %arg2[%dma_wait3A_220, %dma_wait3A_221] : memref<10000x144xf32, #tpu.memory_space<hbm>> -> memref<10000x144xf32, #tpu.memory_space<hbm>>
      tpu.wait_indirect_dma semaphore(%arg13 : memref<!tpu.dma_semaphore, #tpu.memory_space<semaphore_mem>>) src(%dma_wait3A_222 : memref<10000x144xf32, #tpu.memory_space<hbm>>) dst(%arg10 : memref<128x144xf32, #tpu.memory_space<vmem>>)
      %dma_wait3A_223 = arith.constant 3 : i32
      %dma_wait3A_224 = arith.constant 0 : i32
      %dma_wait3A_225 = tpu.memref_slice %arg7[%dma_wait3A_223, %dma_wait3A_224] : memref<4x128xi32, #tpu.memory_space<vmem>> -> memref<1x128xi32, #tpu.memory_space<vmem>>
      %dma_wait3A_226 = tpu.memref_squeeze %dma_wait3A_225 : memref<1x128xi32, #tpu.memory_space<vmem>> -> memref<128xi32, #tpu.memory_space<vmem>>
      %dma_wait3A_227 = arith.constant 0 : i32
      %dma_wait3A_228 = arith.constant 0 : i32
      %dma_wait3A_229 = tpu.memref_slice %arg12[%dma_wait3A_227, %dma_wait3A_228] : memref<10112x144xf32, #tpu.memory_space<vmem_shared>> -> memref<10112x144xf32, #tpu.memory_space<vmem_shared>>
      tpu.wait_indirect_dma semaphore(%arg15 : memref<!tpu.dma_semaphore, #tpu.memory_space<semaphore_mem>>) src(%arg11 : memref<128x144xf32, #tpu.memory_space<vmem>>) dst(%dma_wait3A_229 : memref<10112x144xf32, #tpu.memory_space<vmem_shared>>)
      %dma_start3A_230 = arith.constant 0 : i32
      %dma_start3A_231 = arith.constant 0 : i32
      %dma_start3A_232 = tpu.memref_slice %arg9[%dma_start3A_230, %dma_start3A_231] : memref<4x128xi32, #tpu.memory_space<vmem>> -> memref<1x128xi32, #tpu.memory_space<vmem>>
      %dma_start3A_233 = tpu.memref_squeeze %dma_start3A_232 : memref<1x128xi32, #tpu.memory_space<vmem>> -> memref<128xi32, #tpu.memory_space<vmem>>
      %dma_start3A_234 = arith.constant 0 : i32
      %dma_start3A_235 = arith.constant 0 : i32
      %dma_start3A_236 = tpu.memref_slice %arg12[%dma_start3A_234, %dma_start3A_235] : memref<10112x144xf32, #tpu.memory_space<vmem_shared>> -> memref<10112x144xf32, #tpu.memory_space<vmem_shared>>
      tpu.enqueue_indirect_dma source(%arg10 : memref<128x144xf32, #tpu.memory_space<vmem>>) target(%dma_start3A_236 : memref<10112x144xf32, #tpu.memory_space<vmem_shared>>) offsets(%dma_start3A_233 : memref<128xi32, #tpu.memory_space<vmem>>) semaphore(%arg15 : memref<!tpu.dma_semaphore, #tpu.memory_space<semaphore_mem>>) {add = true}
      %dma_start3A_237 = arith.constant 1 : i32
      %dma_start3A_238 = arith.constant 0 : i32
      %dma_start3A_239 = tpu.memref_slice %arg8[%dma_start3A_237, %dma_start3A_238] : memref<4x128xi32, #tpu.memory_space<vmem>> -> memref<1x128xi32, #tpu.memory_space<vmem>>
      %dma_start3A_240 = tpu.memref_squeeze %dma_start3A_239 : memref<1x128xi32, #tpu.memory_space<vmem>> -> memref<128xi32, #tpu.memory_space<vmem>>
      %dma_start3A_241 = arith.constant 0 : i32
      %dma_start3A_242 = arith.constant 0 : i32
      %dma_start3A_243 = tpu.memref_slice %arg2[%dma_start3A_241, %dma_start3A_242] : memref<10000x144xf32, #tpu.memory_space<hbm>> -> memref<10000x144xf32, #tpu.memory_space<hbm>>
      tpu.enqueue_indirect_dma source(%dma_start3A_243 : memref<10000x144xf32, #tpu.memory_space<hbm>>) target(%arg11 : memref<128x144xf32, #tpu.memory_space<vmem>>) offsets(%dma_start3A_240 : memref<128xi32, #tpu.memory_space<vmem>>) semaphore(%arg14 : memref<!tpu.dma_semaphore, #tpu.memory_space<semaphore_mem>>)
      %add3A_244 = arith.constant 1 : i32
      %add3A_245 = arith.addi %scan3A_38, %add3A_244 : i32
      %lt3A = arith.constant 10 : i32
      %lt3A_246 = arith.cmpi slt, %add3A_245, %lt3A : i32
      %convert_element_type3A_247 = arith.extui %lt3A_246 : i1 to i32
      %cond3A_248 = arith.constant 0 : i32
      %cond3A_249 = arith.cmpi ne, %convert_element_type3A_247, %cond3A_248 : i32
      scf.if %cond3A_249 {
        %add3A_327 = arith.constant 1 : i32
        %add3A_328 = arith.addi %scan3A_38, %add3A_327 : i32
        %mul3A_329 = arith.constant 80 : i32
        %mul3A_330 = arith.muli %add3A, %mul3A_329 : i32
        %mul3A_331 = arith.constant 8 : i32
        %mul3A_332 = arith.muli %add3A_328, %mul3A_331 : i32
        %add3A_333 = arith.addi %mul3A_330, %mul3A_332 : i32
        %add3A_334 = arith.constant 0 : i32
        %add3A_335 = arith.addi %add3A_333, %add3A_334 : i32
        %dma_start3A_336 = arith.constant 0 : i32
        %dma_start3A_337 = arith.constant 0 : i32
        %dma_start3A_338 = tpu.memref_slice %arg3[%dma_start3A_336, %add3A_335, %dma_start3A_337] : memref<2x2560x128xi32, #tpu.memory_space<hbm>> -> memref<1x4x128xi32, #tpu.memory_space<hbm>>
        %dma_start3A_339 = tpu.memref_squeeze %dma_start3A_338 : memref<1x4x128xi32, #tpu.memory_space<hbm>> -> memref<4x128xi32, #tpu.memory_space<hbm>>
        %dma_start3A_340 = arith.constant 0 : i32
        %dma_start3A_341 = tpu.memref_slice %arg3[%dma_start3A_336, %add3A_335, %dma_start3A_340] : memref<2x2560x128xi32, #tpu.memory_space<hbm>> -> memref<1x4x128xi32, #tpu.memory_space<hbm>>
        %dma_start3A_342 = tpu.memref_squeeze %dma_start3A_341 : memref<1x4x128xi32, #tpu.memory_space<hbm>> -> memref<4x128xi32, #tpu.memory_space<hbm>>
        tpu.enqueue_dma source(%dma_start3A_342 : memref<4x128xi32, #tpu.memory_space<hbm>>) target(%arg6 : memref<4x128xi32, #tpu.memory_space<vmem>>) target_semaphore(%arg16 : memref<!tpu.dma_semaphore, #tpu.memory_space<semaphore_mem>>)
        %dma_start3A_343 = arith.constant 1 : i32
        %dma_start3A_344 = arith.constant 0 : i32
        %dma_start3A_345 = tpu.memref_slice %arg3[%dma_start3A_343, %add3A_335, %dma_start3A_344] : memref<2x2560x128xi32, #tpu.memory_space<hbm>> -> memref<1x4x128xi32, #tpu.memory_space<hbm>>
        %dma_start3A_346 = tpu.memref_squeeze %dma_start3A_345 : memref<1x4x128xi32, #tpu.memory_space<hbm>> -> memref<4x128xi32, #tpu.memory_space<hbm>>
        %dma_start3A_347 = arith.constant 0 : i32
        %dma_start3A_348 = tpu.memref_slice %arg3[%dma_start3A_343, %add3A_335, %dma_start3A_347] : memref<2x2560x128xi32, #tpu.memory_space<hbm>> -> memref<1x4x128xi32, #tpu.memory_space<hbm>>
        %dma_start3A_349 = tpu.memref_squeeze %dma_start3A_348 : memref<1x4x128xi32, #tpu.memory_space<hbm>> -> memref<4x128xi32, #tpu.memory_space<hbm>>
        tpu.enqueue_dma source(%dma_start3A_349 : memref<4x128xi32, #tpu.memory_space<hbm>>) target(%arg7 : memref<4x128xi32, #tpu.memory_space<vmem>>) target_semaphore(%arg16 : memref<!tpu.dma_semaphore, #tpu.memory_space<semaphore_mem>>)
      } else {
      }
      %dma_wait3A_250 = arith.constant 1 : i32
      %dma_wait3A_251 = arith.constant 0 : i32
      %dma_wait3A_252 = tpu.memref_slice %arg8[%dma_wait3A_250, %dma_wait3A_251] : memref<4x128xi32, #tpu.memory_space<vmem>> -> memref<1x128xi32, #tpu.memory_space<vmem>>
      %dma_wait3A_253 = tpu.memref_squeeze %dma_wait3A_252 : memref<1x128xi32, #tpu.memory_space<vmem>> -> memref<128xi32, #tpu.memory_space<vmem>>
      %dma_wait3A_254 = arith.constant 0 : i32
      %dma_wait3A_255 = arith.constant 0 : i32
      %dma_wait3A_256 = tpu.memref_slice %arg2[%dma_wait3A_254, %dma_wait3A_255] : memref<10000x144xf32, #tpu.memory_space<hbm>> -> memref<10000x144xf32, #tpu.memory_space<hbm>>
      tpu.wait_indirect_dma semaphore(%arg14 : memref<!tpu.dma_semaphore, #tpu.memory_space<semaphore_mem>>) src(%dma_wait3A_256 : memref<10000x144xf32, #tpu.memory_space<hbm>>) dst(%arg11 : memref<128x144xf32, #tpu.memory_space<vmem>>)
      %dma_wait3A_257 = arith.constant 0 : i32
      %dma_wait3A_258 = arith.constant 0 : i32
      %dma_wait3A_259 = tpu.memref_slice %arg9[%dma_wait3A_257, %dma_wait3A_258] : memref<4x128xi32, #tpu.memory_space<vmem>> -> memref<1x128xi32, #tpu.memory_space<vmem>>
      %dma_wait3A_260 = tpu.memref_squeeze %dma_wait3A_259 : memref<1x128xi32, #tpu.memory_space<vmem>> -> memref<128xi32, #tpu.memory_space<vmem>>
      %dma_wait3A_261 = arith.constant 0 : i32
      %dma_wait3A_262 = arith.constant 0 : i32
      %dma_wait3A_263 = tpu.memref_slice %arg12[%dma_wait3A_261, %dma_wait3A_262] : memref<10112x144xf32, #tpu.memory_space<vmem_shared>> -> memref<10112x144xf32, #tpu.memory_space<vmem_shared>>
      tpu.wait_indirect_dma semaphore(%arg15 : memref<!tpu.dma_semaphore, #tpu.memory_space<semaphore_mem>>) src(%arg10 : memref<128x144xf32, #tpu.memory_space<vmem>>) dst(%dma_wait3A_263 : memref<10112x144xf32, #tpu.memory_space<vmem_shared>>)
      %dma_start3A_264 = arith.constant 1 : i32
      %dma_start3A_265 = arith.constant 0 : i32
      %dma_start3A_266 = tpu.memref_slice %arg9[%dma_start3A_264, %dma_start3A_265] : memref<4x128xi32, #tpu.memory_space<vmem>> -> memref<1x128xi32, #tpu.memory_space<vmem>>
      %dma_start3A_267 = tpu.memref_squeeze %dma_start3A_266 : memref<1x128xi32, #tpu.memory_space<vmem>> -> memref<128xi32, #tpu.memory_space<vmem>>
      %dma_start3A_268 = arith.constant 0 : i32
      %dma_start3A_269 = arith.constant 0 : i32
      %dma_start3A_270 = tpu.memref_slice %arg12[%dma_start3A_268, %dma_start3A_269] : memref<10112x144xf32, #tpu.memory_space<vmem_shared>> -> memref<10112x144xf32, #tpu.memory_space<vmem_shared>>
      tpu.enqueue_indirect_dma source(%arg11 : memref<128x144xf32, #tpu.memory_space<vmem>>) target(%dma_start3A_270 : memref<10112x144xf32, #tpu.memory_space<vmem_shared>>) offsets(%dma_start3A_267 : memref<128xi32, #tpu.memory_space<vmem>>) semaphore(%arg15 : memref<!tpu.dma_semaphore, #tpu.memory_space<semaphore_mem>>) {add = true}
      %dma_start3A_271 = arith.constant 2 : i32
      %dma_start3A_272 = arith.constant 0 : i32
      %dma_start3A_273 = tpu.memref_slice %arg8[%dma_start3A_271, %dma_start3A_272] : memref<4x128xi32, #tpu.memory_space<vmem>> -> memref<1x128xi32, #tpu.memory_space<vmem>>
      %dma_start3A_274 = tpu.memref_squeeze %dma_start3A_273 : memref<1x128xi32, #tpu.memory_space<vmem>> -> memref<128xi32, #tpu.memory_space<vmem>>
      %dma_start3A_275 = arith.constant 0 : i32
      %dma_start3A_276 = arith.constant 0 : i32
      %dma_start3A_277 = tpu.memref_slice %arg2[%dma_start3A_275, %dma_start3A_276] : memref<10000x144xf32, #tpu.memory_space<hbm>> -> memref<10000x144xf32, #tpu.memory_space<hbm>>
      tpu.enqueue_indirect_dma source(%dma_start3A_277 : memref<10000x144xf32, #tpu.memory_space<hbm>>) target(%arg10 : memref<128x144xf32, #tpu.memory_space<vmem>>) offsets(%dma_start3A_274 : memref<128xi32, #tpu.memory_space<vmem>>) semaphore(%arg13 : memref<!tpu.dma_semaphore, #tpu.memory_space<semaphore_mem>>)
      %dma_wait3A_278 = arith.constant 2 : i32
      %dma_wait3A_279 = arith.constant 0 : i32
      %dma_wait3A_280 = tpu.memref_slice %arg8[%dma_wait3A_278, %dma_wait3A_279] : memref<4x128xi32, #tpu.memory_space<vmem>> -> memref<1x128xi32, #tpu.memory_space<vmem>>
      %dma_wait3A_281 = tpu.memref_squeeze %dma_wait3A_280 : memref<1x128xi32, #tpu.memory_space<vmem>> -> memref<128xi32, #tpu.memory_space<vmem>>
      %dma_wait3A_282 = arith.constant 0 : i32
      %dma_wait3A_283 = arith.constant 0 : i32
      %dma_wait3A_284 = tpu.memref_slice %arg2[%dma_wait3A_282, %dma_wait3A_283] : memref<10000x144xf32, #tpu.memory_space<hbm>> -> memref<10000x144xf32, #tpu.memory_space<hbm>>
      tpu.wait_indirect_dma semaphore(%arg13 : memref<!tpu.dma_semaphore, #tpu.memory_space<semaphore_mem>>) src(%dma_wait3A_284 : memref<10000x144xf32, #tpu.memory_space<hbm>>) dst(%arg10 : memref<128x144xf32, #tpu.memory_space<vmem>>)
      %dma_wait3A_285 = arith.constant 1 : i32
      %dma_wait3A_286 = arith.constant 0 : i32
      %dma_wait3A_287 = tpu.memref_slice %arg9[%dma_wait3A_285, %dma_wait3A_286] : memref<4x128xi32, #tpu.memory_space<vmem>> -> memref<1x128xi32, #tpu.memory_space<vmem>>
      %dma_wait3A_288 = tpu.memref_squeeze %dma_wait3A_287 : memref<1x128xi32, #tpu.memory_space<vmem>> -> memref<128xi32, #tpu.memory_space<vmem>>
      %dma_wait3A_289 = arith.constant 0 : i32
      %dma_wait3A_290 = arith.constant 0 : i32
      %dma_wait3A_291 = tpu.memref_slice %arg12[%dma_wait3A_289, %dma_wait3A_290] : memref<10112x144xf32, #tpu.memory_space<vmem_shared>> -> memref<10112x144xf32, #tpu.memory_space<vmem_shared>>
      tpu.wait_indirect_dma semaphore(%arg15 : memref<!tpu.dma_semaphore, #tpu.memory_space<semaphore_mem>>) src(%arg11 : memref<128x144xf32, #tpu.memory_space<vmem>>) dst(%dma_wait3A_291 : memref<10112x144xf32, #tpu.memory_space<vmem_shared>>)
      %dma_start3A_292 = arith.constant 2 : i32
      %dma_start3A_293 = arith.constant 0 : i32
      %dma_start3A_294 = tpu.memref_slice %arg9[%dma_start3A_292, %dma_start3A_293] : memref<4x128xi32, #tpu.memory_space<vmem>> -> memref<1x128xi32, #tpu.memory_space<vmem>>
      %dma_start3A_295 = tpu.memref_squeeze %dma_start3A_294 : memref<1x128xi32, #tpu.memory_space<vmem>> -> memref<128xi32, #tpu.memory_space<vmem>>
      %dma_start3A_296 = arith.constant 0 : i32
      %dma_start3A_297 = arith.constant 0 : i32
      %dma_start3A_298 = tpu.memref_slice %arg12[%dma_start3A_296, %dma_start3A_297] : memref<10112x144xf32, #tpu.memory_space<vmem_shared>> -> memref<10112x144xf32, #tpu.memory_space<vmem_shared>>
      tpu.enqueue_indirect_dma source(%arg10 : memref<128x144xf32, #tpu.memory_space<vmem>>) target(%dma_start3A_298 : memref<10112x144xf32, #tpu.memory_space<vmem_shared>>) offsets(%dma_start3A_295 : memref<128xi32, #tpu.memory_space<vmem>>) semaphore(%arg15 : memref<!tpu.dma_semaphore, #tpu.memory_space<semaphore_mem>>) {add = true}
      %dma_start3A_299 = arith.constant 3 : i32
      %dma_start3A_300 = arith.constant 0 : i32
      %dma_start3A_301 = tpu.memref_slice %arg8[%dma_start3A_299, %dma_start3A_300] : memref<4x128xi32, #tpu.memory_space<vmem>> -> memref<1x128xi32, #tpu.memory_space<vmem>>
      %dma_start3A_302 = tpu.memref_squeeze %dma_start3A_301 : memref<1x128xi32, #tpu.memory_space<vmem>> -> memref<128xi32, #tpu.memory_space<vmem>>
      %dma_start3A_303 = arith.constant 0 : i32
      %dma_start3A_304 = arith.constant 0 : i32
      %dma_start3A_305 = tpu.memref_slice %arg2[%dma_start3A_303, %dma_start3A_304] : memref<10000x144xf32, #tpu.memory_space<hbm>> -> memref<10000x144xf32, #tpu.memory_space<hbm>>
      tpu.enqueue_indirect_dma source(%dma_start3A_305 : memref<10000x144xf32, #tpu.memory_space<hbm>>) target(%arg11 : memref<128x144xf32, #tpu.memory_space<vmem>>) offsets(%dma_start3A_302 : memref<128xi32, #tpu.memory_space<vmem>>) semaphore(%arg14 : memref<!tpu.dma_semaphore, #tpu.memory_space<semaphore_mem>>)
      %dma_wait3A_306 = arith.constant 3 : i32
      %dma_wait3A_307 = arith.constant 0 : i32
      %dma_wait3A_308 = tpu.memref_slice %arg8[%dma_wait3A_306, %dma_wait3A_307] : memref<4x128xi32, #tpu.memory_space<vmem>> -> memref<1x128xi32, #tpu.memory_space<vmem>>
      %dma_wait3A_309 = tpu.memref_squeeze %dma_wait3A_308 : memref<1x128xi32, #tpu.memory_space<vmem>> -> memref<128xi32, #tpu.memory_space<vmem>>
      %dma_wait3A_310 = arith.constant 0 : i32
      %dma_wait3A_311 = arith.constant 0 : i32
      %dma_wait3A_312 = tpu.memref_slice %arg2[%dma_wait3A_310, %dma_wait3A_311] : memref<10000x144xf32, #tpu.memory_space<hbm>> -> memref<10000x144xf32, #tpu.memory_space<hbm>>
      tpu.wait_indirect_dma semaphore(%arg14 : memref<!tpu.dma_semaphore, #tpu.memory_space<semaphore_mem>>) src(%dma_wait3A_312 : memref<10000x144xf32, #tpu.memory_space<hbm>>) dst(%arg11 : memref<128x144xf32, #tpu.memory_space<vmem>>)
      %dma_wait3A_313 = arith.constant 2 : i32
      %dma_wait3A_314 = arith.constant 0 : i32
      %dma_wait3A_315 = tpu.memref_slice %arg9[%dma_wait3A_313, %dma_wait3A_314] : memref<4x128xi32, #tpu.memory_space<vmem>> -> memref<1x128xi32, #tpu.memory_space<vmem>>
      %dma_wait3A_316 = tpu.memref_squeeze %dma_wait3A_315 : memref<1x128xi32, #tpu.memory_space<vmem>> -> memref<128xi32, #tpu.memory_space<vmem>>
      %dma_wait3A_317 = arith.constant 0 : i32
      %dma_wait3A_318 = arith.constant 0 : i32
      %dma_wait3A_319 = tpu.memref_slice %arg12[%dma_wait3A_317, %dma_wait3A_318] : memref<10112x144xf32, #tpu.memory_space<vmem_shared>> -> memref<10112x144xf32, #tpu.memory_space<vmem_shared>>
      tpu.wait_indirect_dma semaphore(%arg15 : memref<!tpu.dma_semaphore, #tpu.memory_space<semaphore_mem>>) src(%arg10 : memref<128x144xf32, #tpu.memory_space<vmem>>) dst(%dma_wait3A_319 : memref<10112x144xf32, #tpu.memory_space<vmem_shared>>)
      %dma_start3A_320 = arith.constant 3 : i32
      %dma_start3A_321 = arith.constant 0 : i32
      %dma_start3A_322 = tpu.memref_slice %arg9[%dma_start3A_320, %dma_start3A_321] : memref<4x128xi32, #tpu.memory_space<vmem>> -> memref<1x128xi32, #tpu.memory_space<vmem>>
      %dma_start3A_323 = tpu.memref_squeeze %dma_start3A_322 : memref<1x128xi32, #tpu.memory_space<vmem>> -> memref<128xi32, #tpu.memory_space<vmem>>
      %dma_start3A_324 = arith.constant 0 : i32
      %dma_start3A_325 = arith.constant 0 : i32
      %dma_start3A_326 = tpu.memref_slice %arg12[%dma_start3A_324, %dma_start3A_325] : memref<10112x144xf32, #tpu.memory_space<vmem_shared>> -> memref<10112x144xf32, #tpu.memory_space<vmem_shared>>
      tpu.enqueue_indirect_dma source(%arg11 : memref<128x144xf32, #tpu.memory_space<vmem>>) target(%dma_start3A_326 : memref<10112x144xf32, #tpu.memory_space<vmem_shared>>) offsets(%dma_start3A_323 : memref<128xi32, #tpu.memory_space<vmem>>) semaphore(%arg15 : memref<!tpu.dma_semaphore, #tpu.memory_space<semaphore_mem>>) {add = true}
    }
    %scan3A_26 = arith.constant 10 : i32
    %dma_wait3A = arith.constant 3 : i32
    %dma_wait3A_27 = arith.constant 0 : i32
    %dma_wait3A_28 = tpu.memref_slice %arg9[%dma_wait3A, %dma_wait3A_27] : memref<4x128xi32, #tpu.memory_space<vmem>> -> memref<1x128xi32, #tpu.memory_space<vmem>>
    %dma_wait3A_29 = tpu.memref_squeeze %dma_wait3A_28 : memref<1x128xi32, #tpu.memory_space<vmem>> -> memref<128xi32, #tpu.memory_space<vmem>>
    %dma_wait3A_30 = arith.constant 0 : i32
    %dma_wait3A_31 = arith.constant 0 : i32
    %dma_wait3A_32 = tpu.memref_slice %arg12[%dma_wait3A_30, %dma_wait3A_31] : memref<10112x144xf32, #tpu.memory_space<vmem_shared>> -> memref<10112x144xf32, #tpu.memory_space<vmem_shared>>
    tpu.wait_indirect_dma semaphore(%arg15 : memref<!tpu.dma_semaphore, #tpu.memory_space<semaphore_mem>>) src(%arg11 : memref<128x144xf32, #tpu.memory_space<vmem>>) dst(%dma_wait3A_32 : memref<10112x144xf32, #tpu.memory_space<vmem_shared>>)
    %barrier3A_33 = arith.constant 0 : index
    tpu.barrier barrier_id(%barrier3A_33)
    %mul3A_34 = arith.constant 632 : i32
    %mul3A_35 = arith.muli %arg1, %mul3A_34 : i32
    %mul3A_36 = arith.constant 632 : i32
    %mul3A_37 = arith.muli %arg1, %mul3A_36 : i32
    "tpu.region"() ({
      %run_scoped3A = tpu.sem_alloc : memref<!tpu.dma_semaphore, #tpu.memory_space<semaphore_mem>>
      %dma_start3A_38 = arith.constant 0 : i32
      %dma_start3A_39 = tpu.memref_slice %arg5[%arg0, %mul3A_37, %dma_start3A_38] : memref<2x10112x144xf32, #tpu.memory_space<hbm>> -> memref<1x632x144xf32, #tpu.memory_space<hbm>>
      %dma_start3A_40 = tpu.memref_squeeze %dma_start3A_39 : memref<1x632x144xf32, #tpu.memory_space<hbm>> -> memref<632x144xf32, #tpu.memory_space<hbm>>
      %dma_start3A_41 = arith.constant 0 : i32
      %dma_start3A_42 = tpu.memref_slice %arg12[%mul3A_35, %dma_start3A_41] : memref<10112x144xf32, #tpu.memory_space<vmem_shared>> -> memref<632x144xf32, #tpu.memory_space<vmem_shared>>
      tpu.enqueue_dma source(%dma_start3A_42 : memref<632x144xf32, #tpu.memory_space<vmem_shared>>) target(%dma_start3A_40 : memref<632x144xf32, #tpu.memory_space<hbm>>) target_semaphore(%run_scoped3A : memref<!tpu.dma_semaphore, #tpu.memory_space<semaphore_mem>>)
      %dma_wait3A_43 = arith.constant 0 : i32
      %dma_wait3A_44 = tpu.memref_slice %arg5[%arg0, %mul3A_37, %dma_wait3A_43] : memref<2x10112x144xf32, #tpu.memory_space<hbm>> -> memref<1x632x144xf32, #tpu.memory_space<hbm>>
      %dma_wait3A_45 = tpu.memref_squeeze %dma_wait3A_44 : memref<1x632x144xf32, #tpu.memory_space<hbm>> -> memref<632x144xf32, #tpu.memory_space<hbm>>
      %dma_wait3A_46 = arith.constant 0 : i32
      %dma_wait3A_47 = tpu.memref_slice %arg12[%mul3A_35, %dma_wait3A_46] : memref<10112x144xf32, #tpu.memory_space<vmem_shared>> -> memref<632x144xf32, #tpu.memory_space<vmem_shared>>
      tpu.wait_dma2 semaphore(%run_scoped3A : memref<!tpu.dma_semaphore, #tpu.memory_space<semaphore_mem>>) src(%dma_wait3A_47 : memref<632x144xf32, #tpu.memory_space<vmem_shared>>) dst(%dma_wait3A_45 : memref<632x144xf32, #tpu.memory_space<hbm>>)
      tpu.yield
    }) : () -> ()
    return
  }
}

#map = affine_map<(d0, d1) -> (0, 0)>
#map1 = affine_map<(d0, d1) -> (0, 0, 0)>
module attributes {stable_mosaic.version = 14 : i64} {
  func.func @_seg_body(%arg0: i32, %arg1: i32, %arg2: memref<10000x128xf32, #tpu.memory_space<hbm>>, %arg3: memref<2x2560x128xi32, #tpu.memory_space<hbm>>, %arg4: memref<632x128xf32, #tpu.memory_space<hbm>>, %arg5: memref<2x10112x128xf32, #tpu.memory_space<hbm>>, %arg6: memref<4x128xi32, #tpu.memory_space<vmem>>, %arg7: memref<4x128xi32, #tpu.memory_space<vmem>>, %arg8: memref<4x128xi32, #tpu.memory_space<vmem>>, %arg9: memref<4x128xi32, #tpu.memory_space<vmem>>, %arg10: memref<128x128xf32, #tpu.memory_space<vmem>>, %arg11: memref<128x128xf32, #tpu.memory_space<vmem>>, %arg12: memref<10112x128xf32, #tpu.memory_space<vmem_shared>>, %arg13: memref<!tpu.dma_semaphore, #tpu.memory_space<semaphore_mem>>, %arg14: memref<!tpu.dma_semaphore, #tpu.memory_space<semaphore_mem>>, %arg15: memref<!tpu.dma_semaphore, #tpu.memory_space<semaphore_mem>>, %arg16: memref<!tpu.dma_semaphore, #tpu.memory_space<semaphore_mem>>, %arg17: memref<!tpu.dma_semaphore, #tpu.memory_space<semaphore_mem>>) attributes {dimension_semantics = [#tpu.dimension_semantics<core_parallel>, #tpu.dimension_semantics<subcore_parallel>], iteration_bounds = array<i64: 2, 16>, scalar_prefetch = 0 : i64, scratch_operands = 12 : i64, tpu.core_type = #tpu.core_type<sc_vector_subcore>, window_params = [{transform_indices = #map}, {transform_indices = #map1}, {transform_indices = #map}, {transform_indices = #map1}]} {
    %mul3A = arith.constant 16 : i32
    %mul3A_0 = arith.muli %arg0, %mul3A : i32
    %add3A = arith.addi %mul3A_0, %arg1 : i32
    %mul3A_1 = arith.constant 632 : i32
    %mul3A_2 = arith.muli %arg1, %mul3A_1 : i32
    "tpu.region"() ({
      %run_scoped3A = tpu.sem_alloc : memref<!tpu.dma_semaphore, #tpu.memory_space<semaphore_mem>>
      %dma_start3A_38 = arith.constant 0 : i32
      %dma_start3A_39 = tpu.memref_slice %arg12[%mul3A_2, %dma_start3A_38] : memref<10112x128xf32, #tpu.memory_space<vmem_shared>> -> memref<632x128xf32, #tpu.memory_space<vmem_shared>>
      tpu.enqueue_dma source(%arg4 : memref<632x128xf32, #tpu.memory_space<hbm>>) target(%dma_start3A_39 : memref<632x128xf32, #tpu.memory_space<vmem_shared>>) target_semaphore(%run_scoped3A : memref<!tpu.dma_semaphore, #tpu.memory_space<semaphore_mem>>)
      %dma_wait3A_40 = arith.constant 0 : i32
      %dma_wait3A_41 = tpu.memref_slice %arg12[%mul3A_2, %dma_wait3A_40] : memref<10112x128xf32, #tpu.memory_space<vmem_shared>> -> memref<632x128xf32, #tpu.memory_space<vmem_shared>>
      tpu.wait_dma2 semaphore(%run_scoped3A : memref<!tpu.dma_semaphore, #tpu.memory_space<semaphore_mem>>) src(%arg4 : memref<632x128xf32, #tpu.memory_space<hbm>>) dst(%dma_wait3A_41 : memref<632x128xf32, #tpu.memory_space<vmem_shared>>)
      tpu.yield
    }) : () -> ()
    %mul3A_3 = arith.constant 80 : i32
    %mul3A_4 = arith.muli %add3A, %mul3A_3 : i32
    %add3A_5 = arith.constant 0 : i32
    %add3A_6 = arith.addi %mul3A_4, %add3A_5 : i32
    %add3A_7 = arith.constant 0 : i32
    %add3A_8 = arith.addi %add3A_6, %add3A_7 : i32
    %dma_start3A = arith.constant 0 : i32
    %dma_start3A_9 = arith.constant 0 : i32
    %dma_start3A_10 = tpu.memref_slice %arg3[%dma_start3A, %add3A_8, %dma_start3A_9] : memref<2x2560x128xi32, #tpu.memory_space<hbm>> -> memref<1x4x128xi32, #tpu.memory_space<hbm>>
    %dma_start3A_11 = tpu.memref_squeeze %dma_start3A_10 : memref<1x4x128xi32, #tpu.memory_space<hbm>> -> memref<4x128xi32, #tpu.memory_space<hbm>>
    %dma_start3A_12 = arith.constant 0 : i32
    %dma_start3A_13 = tpu.memref_slice %arg3[%dma_start3A, %add3A_8, %dma_start3A_12] : memref<2x2560x128xi32, #tpu.memory_space<hbm>> -> memref<1x4x128xi32, #tpu.memory_space<hbm>>
    %dma_start3A_14 = tpu.memref_squeeze %dma_start3A_13 : memref<1x4x128xi32, #tpu.memory_space<hbm>> -> memref<4x128xi32, #tpu.memory_space<hbm>>
    tpu.enqueue_dma source(%dma_start3A_14 : memref<4x128xi32, #tpu.memory_space<hbm>>) target(%arg6 : memref<4x128xi32, #tpu.memory_space<vmem>>) target_semaphore(%arg16 : memref<!tpu.dma_semaphore, #tpu.memory_space<semaphore_mem>>)
    %dma_start3A_15 = arith.constant 1 : i32
    %dma_start3A_16 = arith.constant 0 : i32
    %dma_start3A_17 = tpu.memref_slice %arg3[%dma_start3A_15, %add3A_8, %dma_start3A_16] : memref<2x2560x128xi32, #tpu.memory_space<hbm>> -> memref<1x4x128xi32, #tpu.memory_space<hbm>>
    %dma_start3A_18 = tpu.memref_squeeze %dma_start3A_17 : memref<1x4x128xi32, #tpu.memory_space<hbm>> -> memref<4x128xi32, #tpu.memory_space<hbm>>
    %dma_start3A_19 = arith.constant 0 : i32
    %dma_start3A_20 = tpu.memref_slice %arg3[%dma_start3A_15, %add3A_8, %dma_start3A_19] : memref<2x2560x128xi32, #tpu.memory_space<hbm>> -> memref<1x4x128xi32, #tpu.memory_space<hbm>>
    %dma_start3A_21 = tpu.memref_squeeze %dma_start3A_20 : memref<1x4x128xi32, #tpu.memory_space<hbm>> -> memref<4x128xi32, #tpu.memory_space<hbm>>
    tpu.enqueue_dma source(%dma_start3A_21 : memref<4x128xi32, #tpu.memory_space<hbm>>) target(%arg7 : memref<4x128xi32, #tpu.memory_space<vmem>>) target_semaphore(%arg16 : memref<!tpu.dma_semaphore, #tpu.memory_space<semaphore_mem>>)
    %barrier3A = arith.constant 0 : index
    tpu.barrier barrier_id(%barrier3A)
    %scan3A = arith.constant 0 : i32
    %scan3A_22 = arith.constant 0 : i32
    %scan3A_23 = arith.constant 10 : i32
    %scan3A_24 = arith.addi %scan3A_22, %scan3A_23 : i32
    %scan3A_25 = arith.constant 1 : i32
    scf.for %scan3A_38 = %scan3A_22 to %scan3A_24 step %scan3A_25  : i32 {
      %mul3A_39 = arith.constant 80 : i32
      %mul3A_40 = arith.muli %add3A, %mul3A_39 : i32
      %mul3A_41 = arith.constant 8 : i32
      %mul3A_42 = arith.muli %scan3A_38, %mul3A_41 : i32
      %add3A_43 = arith.addi %mul3A_40, %mul3A_42 : i32
      %add3A_44 = arith.constant 0 : i32
      %add3A_45 = arith.addi %add3A_43, %add3A_44 : i32
      %dma_wait3A_46 = arith.constant 0 : i32
      %dma_wait3A_47 = arith.constant 0 : i32
      %dma_wait3A_48 = tpu.memref_slice %arg3[%dma_wait3A_46, %add3A_45, %dma_wait3A_47] : memref<2x2560x128xi32, #tpu.memory_space<hbm>> -> memref<1x4x128xi32, #tpu.memory_space<hbm>>
      %dma_wait3A_49 = tpu.memref_squeeze %dma_wait3A_48 : memref<1x4x128xi32, #tpu.memory_space<hbm>> -> memref<4x128xi32, #tpu.memory_space<hbm>>
      %dma_wait3A_50 = arith.constant 0 : i32
      %dma_wait3A_51 = tpu.memref_slice %arg3[%dma_wait3A_46, %add3A_45, %dma_wait3A_50] : memref<2x2560x128xi32, #tpu.memory_space<hbm>> -> memref<1x4x128xi32, #tpu.memory_space<hbm>>
      %dma_wait3A_52 = tpu.memref_squeeze %dma_wait3A_51 : memref<1x4x128xi32, #tpu.memory_space<hbm>> -> memref<4x128xi32, #tpu.memory_space<hbm>>
      tpu.wait_dma2 semaphore(%arg16 : memref<!tpu.dma_semaphore, #tpu.memory_space<semaphore_mem>>) src(%dma_wait3A_52 : memref<4x128xi32, #tpu.memory_space<hbm>>) dst(%arg6 : memref<4x128xi32, #tpu.memory_space<vmem>>)
      %dma_wait3A_53 = arith.constant 1 : i32
      %dma_wait3A_54 = arith.constant 0 : i32
      %dma_wait3A_55 = tpu.memref_slice %arg3[%dma_wait3A_53, %add3A_45, %dma_wait3A_54] : memref<2x2560x128xi32, #tpu.memory_space<hbm>> -> memref<1x4x128xi32, #tpu.memory_space<hbm>>
      %dma_wait3A_56 = tpu.memref_squeeze %dma_wait3A_55 : memref<1x4x128xi32, #tpu.memory_space<hbm>> -> memref<4x128xi32, #tpu.memory_space<hbm>>
      %dma_wait3A_57 = arith.constant 0 : i32
      %dma_wait3A_58 = tpu.memref_slice %arg3[%dma_wait3A_53, %add3A_45, %dma_wait3A_57] : memref<2x2560x128xi32, #tpu.memory_space<hbm>> -> memref<1x4x128xi32, #tpu.memory_space<hbm>>
      %dma_wait3A_59 = tpu.memref_squeeze %dma_wait3A_58 : memref<1x4x128xi32, #tpu.memory_space<hbm>> -> memref<4x128xi32, #tpu.memory_space<hbm>>
      tpu.wait_dma2 semaphore(%arg16 : memref<!tpu.dma_semaphore, #tpu.memory_space<semaphore_mem>>) src(%dma_wait3A_59 : memref<4x128xi32, #tpu.memory_space<hbm>>) dst(%arg7 : memref<4x128xi32, #tpu.memory_space<vmem>>)
      %gt3A = arith.constant 0 : i32
      %gt3A_60 = arith.cmpi sgt, %scan3A_38, %gt3A : i32
      %convert_element_type3A = arith.extui %gt3A_60 : i1 to i32
      %cond3A = arith.constant 0 : i32
      %cond3A_61 = arith.cmpi ne, %convert_element_type3A, %cond3A : i32
      scf.if %cond3A_61 {
        %dma_wait3A_327 = arith.constant 3 : i32
        %dma_wait3A_328 = arith.constant 0 : i32
        %dma_wait3A_329 = tpu.memref_slice %arg9[%dma_wait3A_327, %dma_wait3A_328] : memref<4x128xi32, #tpu.memory_space<vmem>> -> memref<1x128xi32, #tpu.memory_space<vmem>>
        %dma_wait3A_330 = tpu.memref_squeeze %dma_wait3A_329 : memref<1x128xi32, #tpu.memory_space<vmem>> -> memref<128xi32, #tpu.memory_space<vmem>>
        %dma_wait3A_331 = arith.constant 0 : i32
        %dma_wait3A_332 = arith.constant 0 : i32
        %dma_wait3A_333 = tpu.memref_slice %arg12[%dma_wait3A_331, %dma_wait3A_332] : memref<10112x128xf32, #tpu.memory_space<vmem_shared>> -> memref<10112x128xf32, #tpu.memory_space<vmem_shared>>
        tpu.wait_indirect_dma semaphore(%arg15 : memref<!tpu.dma_semaphore, #tpu.memory_space<semaphore_mem>>) src(%arg11 : memref<128x128xf32, #tpu.memory_space<vmem>>) dst(%dma_wait3A_333 : memref<10112x128xf32, #tpu.memory_space<vmem_shared>>)
      } else {
      }
      %dma_start3A_62 = arith.constant 0 : i32
      %dma_start3A_63 = arith.constant 0 : i32
      %dma_start3A_64 = tpu.memref_slice %arg6[%dma_start3A_62, %dma_start3A_63] : memref<4x128xi32, #tpu.memory_space<vmem>> -> memref<1x128xi32, #tpu.memory_space<vmem>>
      %dma_start3A_65 = tpu.memref_squeeze %dma_start3A_64 : memref<1x128xi32, #tpu.memory_space<vmem>> -> memref<128xi32, #tpu.memory_space<vmem>>
      %dma_start3A_66 = arith.constant 0 : i32
      %dma_start3A_67 = arith.constant 0 : i32
      %dma_start3A_68 = tpu.memref_slice %arg2[%dma_start3A_66, %dma_start3A_67] : memref<10000x128xf32, #tpu.memory_space<hbm>> -> memref<10000x128xf32, #tpu.memory_space<hbm>>
      tpu.enqueue_indirect_dma source(%dma_start3A_68 : memref<10000x128xf32, #tpu.memory_space<hbm>>) target(%arg10 : memref<128x128xf32, #tpu.memory_space<vmem>>) offsets(%dma_start3A_65 : memref<128xi32, #tpu.memory_space<vmem>>) semaphore(%arg13 : memref<!tpu.dma_semaphore, #tpu.memory_space<semaphore_mem>>)
      %dma_start3A_69 = arith.constant 1 : i32
      %dma_start3A_70 = arith.constant 0 : i32
      %dma_start3A_71 = tpu.memref_slice %arg6[%dma_start3A_69, %dma_start3A_70] : memref<4x128xi32, #tpu.memory_space<vmem>> -> memref<1x128xi32, #tpu.memory_space<vmem>>
      %dma_start3A_72 = tpu.memref_squeeze %dma_start3A_71 : memref<1x128xi32, #tpu.memory_space<vmem>> -> memref<128xi32, #tpu.memory_space<vmem>>
      %dma_start3A_73 = arith.constant 0 : i32
      %dma_start3A_74 = arith.constant 0 : i32
      %dma_start3A_75 = tpu.memref_slice %arg2[%dma_start3A_73, %dma_start3A_74] : memref<10000x128xf32, #tpu.memory_space<hbm>> -> memref<10000x128xf32, #tpu.memory_space<hbm>>
      tpu.enqueue_indirect_dma source(%dma_start3A_75 : memref<10000x128xf32, #tpu.memory_space<hbm>>) target(%arg11 : memref<128x128xf32, #tpu.memory_space<vmem>>) offsets(%dma_start3A_72 : memref<128xi32, #tpu.memory_space<vmem>>) semaphore(%arg14 : memref<!tpu.dma_semaphore, #tpu.memory_space<semaphore_mem>>)
      %mul3A_76 = arith.constant 80 : i32
      %mul3A_77 = arith.muli %add3A, %mul3A_76 : i32
      %mul3A_78 = arith.constant 8 : i32
      %mul3A_79 = arith.muli %scan3A_38, %mul3A_78 : i32
      %add3A_80 = arith.addi %mul3A_77, %mul3A_79 : i32
      %add3A_81 = arith.constant 4 : i32
      %add3A_82 = arith.addi %add3A_80, %add3A_81 : i32
      %dma_start3A_83 = arith.constant 0 : i32
      %dma_start3A_84 = arith.constant 0 : i32
      %dma_start3A_85 = tpu.memref_slice %arg3[%dma_start3A_83, %add3A_82, %dma_start3A_84] : memref<2x2560x128xi32, #tpu.memory_space<hbm>> -> memref<1x4x128xi32, #tpu.memory_space<hbm>>
      %dma_start3A_86 = tpu.memref_squeeze %dma_start3A_85 : memref<1x4x128xi32, #tpu.memory_space<hbm>> -> memref<4x128xi32, #tpu.memory_space<hbm>>
      %dma_start3A_87 = arith.constant 0 : i32
      %dma_start3A_88 = tpu.memref_slice %arg3[%dma_start3A_83, %add3A_82, %dma_start3A_87] : memref<2x2560x128xi32, #tpu.memory_space<hbm>> -> memref<1x4x128xi32, #tpu.memory_space<hbm>>
      %dma_start3A_89 = tpu.memref_squeeze %dma_start3A_88 : memref<1x4x128xi32, #tpu.memory_space<hbm>> -> memref<4x128xi32, #tpu.memory_space<hbm>>
      tpu.enqueue_dma source(%dma_start3A_89 : memref<4x128xi32, #tpu.memory_space<hbm>>) target(%arg8 : memref<4x128xi32, #tpu.memory_space<vmem>>) target_semaphore(%arg17 : memref<!tpu.dma_semaphore, #tpu.memory_space<semaphore_mem>>)
      %dma_start3A_90 = arith.constant 1 : i32
      %dma_start3A_91 = arith.constant 0 : i32
      %dma_start3A_92 = tpu.memref_slice %arg3[%dma_start3A_90, %add3A_82, %dma_start3A_91] : memref<2x2560x128xi32, #tpu.memory_space<hbm>> -> memref<1x4x128xi32, #tpu.memory_space<hbm>>
      %dma_start3A_93 = tpu.memref_squeeze %dma_start3A_92 : memref<1x4x128xi32, #tpu.memory_space<hbm>> -> memref<4x128xi32, #tpu.memory_space<hbm>>
      %dma_start3A_94 = arith.constant 0 : i32
      %dma_start3A_95 = tpu.memref_slice %arg3[%dma_start3A_90, %add3A_82, %dma_start3A_94] : memref<2x2560x128xi32, #tpu.memory_space<hbm>> -> memref<1x4x128xi32, #tpu.memory_space<hbm>>
      %dma_start3A_96 = tpu.memref_squeeze %dma_start3A_95 : memref<1x4x128xi32, #tpu.memory_space<hbm>> -> memref<4x128xi32, #tpu.memory_space<hbm>>
      tpu.enqueue_dma source(%dma_start3A_96 : memref<4x128xi32, #tpu.memory_space<hbm>>) target(%arg9 : memref<4x128xi32, #tpu.memory_space<vmem>>) target_semaphore(%arg17 : memref<!tpu.dma_semaphore, #tpu.memory_space<semaphore_mem>>)
      %dma_wait3A_97 = arith.constant 0 : i32
      %dma_wait3A_98 = arith.constant 0 : i32
      %dma_wait3A_99 = tpu.memref_slice %arg6[%dma_wait3A_97, %dma_wait3A_98] : memref<4x128xi32, #tpu.memory_space<vmem>> -> memref<1x128xi32, #tpu.memory_space<vmem>>
      %dma_wait3A_100 = tpu.memref_squeeze %dma_wait3A_99 : memref<1x128xi32, #tpu.memory_space<vmem>> -> memref<128xi32, #tpu.memory_space<vmem>>
      %dma_wait3A_101 = arith.constant 0 : i32
      %dma_wait3A_102 = arith.constant 0 : i32
      %dma_wait3A_103 = tpu.memref_slice %arg2[%dma_wait3A_101, %dma_wait3A_102] : memref<10000x128xf32, #tpu.memory_space<hbm>> -> memref<10000x128xf32, #tpu.memory_space<hbm>>
      tpu.wait_indirect_dma semaphore(%arg13 : memref<!tpu.dma_semaphore, #tpu.memory_space<semaphore_mem>>) src(%dma_wait3A_103 : memref<10000x128xf32, #tpu.memory_space<hbm>>) dst(%arg10 : memref<128x128xf32, #tpu.memory_space<vmem>>)
      %dma_start3A_104 = arith.constant 0 : i32
      %dma_start3A_105 = arith.constant 0 : i32
      %dma_start3A_106 = tpu.memref_slice %arg7[%dma_start3A_104, %dma_start3A_105] : memref<4x128xi32, #tpu.memory_space<vmem>> -> memref<1x128xi32, #tpu.memory_space<vmem>>
      %dma_start3A_107 = tpu.memref_squeeze %dma_start3A_106 : memref<1x128xi32, #tpu.memory_space<vmem>> -> memref<128xi32, #tpu.memory_space<vmem>>
      %dma_start3A_108 = arith.constant 0 : i32
      %dma_start3A_109 = arith.constant 0 : i32
      %dma_start3A_110 = tpu.memref_slice %arg12[%dma_start3A_108, %dma_start3A_109] : memref<10112x128xf32, #tpu.memory_space<vmem_shared>> -> memref<10112x128xf32, #tpu.memory_space<vmem_shared>>
      tpu.enqueue_indirect_dma source(%arg10 : memref<128x128xf32, #tpu.memory_space<vmem>>) target(%dma_start3A_110 : memref<10112x128xf32, #tpu.memory_space<vmem_shared>>) offsets(%dma_start3A_107 : memref<128xi32, #tpu.memory_space<vmem>>) semaphore(%arg15 : memref<!tpu.dma_semaphore, #tpu.memory_space<semaphore_mem>>) {add = true}
      %dma_wait3A_111 = arith.constant 1 : i32
      %dma_wait3A_112 = arith.constant 0 : i32
      %dma_wait3A_113 = tpu.memref_slice %arg6[%dma_wait3A_111, %dma_wait3A_112] : memref<4x128xi32, #tpu.memory_space<vmem>> -> memref<1x128xi32, #tpu.memory_space<vmem>>
      %dma_wait3A_114 = tpu.memref_squeeze %dma_wait3A_113 : memref<1x128xi32, #tpu.memory_space<vmem>> -> memref<128xi32, #tpu.memory_space<vmem>>
      %dma_wait3A_115 = arith.constant 0 : i32
      %dma_wait3A_116 = arith.constant 0 : i32
      %dma_wait3A_117 = tpu.memref_slice %arg2[%dma_wait3A_115, %dma_wait3A_116] : memref<10000x128xf32, #tpu.memory_space<hbm>> -> memref<10000x128xf32, #tpu.memory_space<hbm>>
      tpu.wait_indirect_dma semaphore(%arg14 : memref<!tpu.dma_semaphore, #tpu.memory_space<semaphore_mem>>) src(%dma_wait3A_117 : memref<10000x128xf32, #tpu.memory_space<hbm>>) dst(%arg11 : memref<128x128xf32, #tpu.memory_space<vmem>>)
      %dma_wait3A_118 = arith.constant 0 : i32
      %dma_wait3A_119 = arith.constant 0 : i32
      %dma_wait3A_120 = tpu.memref_slice %arg7[%dma_wait3A_118, %dma_wait3A_119] : memref<4x128xi32, #tpu.memory_space<vmem>> -> memref<1x128xi32, #tpu.memory_space<vmem>>
      %dma_wait3A_121 = tpu.memref_squeeze %dma_wait3A_120 : memref<1x128xi32, #tpu.memory_space<vmem>> -> memref<128xi32, #tpu.memory_space<vmem>>
      %dma_wait3A_122 = arith.constant 0 : i32
      %dma_wait3A_123 = arith.constant 0 : i32
      %dma_wait3A_124 = tpu.memref_slice %arg12[%dma_wait3A_122, %dma_wait3A_123] : memref<10112x128xf32, #tpu.memory_space<vmem_shared>> -> memref<10112x128xf32, #tpu.memory_space<vmem_shared>>
      tpu.wait_indirect_dma semaphore(%arg15 : memref<!tpu.dma_semaphore, #tpu.memory_space<semaphore_mem>>) src(%arg10 : memref<128x128xf32, #tpu.memory_space<vmem>>) dst(%dma_wait3A_124 : memref<10112x128xf32, #tpu.memory_space<vmem_shared>>)
      %dma_start3A_125 = arith.constant 1 : i32
      %dma_start3A_126 = arith.constant 0 : i32
      %dma_start3A_127 = tpu.memref_slice %arg7[%dma_start3A_125, %dma_start3A_126] : memref<4x128xi32, #tpu.memory_space<vmem>> -> memref<1x128xi32, #tpu.memory_space<vmem>>
      %dma_start3A_128 = tpu.memref_squeeze %dma_start3A_127 : memref<1x128xi32, #tpu.memory_space<vmem>> -> memref<128xi32, #tpu.memory_space<vmem>>
      %dma_start3A_129 = arith.constant 0 : i32
      %dma_start3A_130 = arith.constant 0 : i32
      %dma_start3A_131 = tpu.memref_slice %arg12[%dma_start3A_129, %dma_start3A_130] : memref<10112x128xf32, #tpu.memory_space<vmem_shared>> -> memref<10112x128xf32, #tpu.memory_space<vmem_shared>>
      tpu.enqueue_indirect_dma source(%arg11 : memref<128x128xf32, #tpu.memory_space<vmem>>) target(%dma_start3A_131 : memref<10112x128xf32, #tpu.memory_space<vmem_shared>>) offsets(%dma_start3A_128 : memref<128xi32, #tpu.memory_space<vmem>>) semaphore(%arg15 : memref<!tpu.dma_semaphore, #tpu.memory_space<semaphore_mem>>) {add = true}
      %dma_start3A_132 = arith.constant 2 : i32
      %dma_start3A_133 = arith.constant 0 : i32
      %dma_start3A_134 = tpu.memref_slice %arg6[%dma_start3A_132, %dma_start3A_133] : memref<4x128xi32, #tpu.memory_space<vmem>> -> memref<1x128xi32, #tpu.memory_space<vmem>>
      %dma_start3A_135 = tpu.memref_squeeze %dma_start3A_134 : memref<1x128xi32, #tpu.memory_space<vmem>> -> memref<128xi32, #tpu.memory_space<vmem>>
      %dma_start3A_136 = arith.constant 0 : i32
      %dma_start3A_137 = arith.constant 0 : i32
      %dma_start3A_138 = tpu.memref_slice %arg2[%dma_start3A_136, %dma_start3A_137] : memref<10000x128xf32, #tpu.memory_space<hbm>> -> memref<10000x128xf32, #tpu.memory_space<hbm>>
      tpu.enqueue_indirect_dma source(%dma_start3A_138 : memref<10000x128xf32, #tpu.memory_space<hbm>>) target(%arg10 : memref<128x128xf32, #tpu.memory_space<vmem>>) offsets(%dma_start3A_135 : memref<128xi32, #tpu.memory_space<vmem>>) semaphore(%arg13 : memref<!tpu.dma_semaphore, #tpu.memory_space<semaphore_mem>>)
      %dma_wait3A_139 = arith.constant 2 : i32
      %dma_wait3A_140 = arith.constant 0 : i32
      %dma_wait3A_141 = tpu.memref_slice %arg6[%dma_wait3A_139, %dma_wait3A_140] : memref<4x128xi32, #tpu.memory_space<vmem>> -> memref<1x128xi32, #tpu.memory_space<vmem>>
      %dma_wait3A_142 = tpu.memref_squeeze %dma_wait3A_141 : memref<1x128xi32, #tpu.memory_space<vmem>> -> memref<128xi32, #tpu.memory_space<vmem>>
      %dma_wait3A_143 = arith.constant 0 : i32
      %dma_wait3A_144 = arith.constant 0 : i32
      %dma_wait3A_145 = tpu.memref_slice %arg2[%dma_wait3A_143, %dma_wait3A_144] : memref<10000x128xf32, #tpu.memory_space<hbm>> -> memref<10000x128xf32, #tpu.memory_space<hbm>>
      tpu.wait_indirect_dma semaphore(%arg13 : memref<!tpu.dma_semaphore, #tpu.memory_space<semaphore_mem>>) src(%dma_wait3A_145 : memref<10000x128xf32, #tpu.memory_space<hbm>>) dst(%arg10 : memref<128x128xf32, #tpu.memory_space<vmem>>)
      %dma_wait3A_146 = arith.constant 1 : i32
      %dma_wait3A_147 = arith.constant 0 : i32
      %dma_wait3A_148 = tpu.memref_slice %arg7[%dma_wait3A_146, %dma_wait3A_147] : memref<4x128xi32, #tpu.memory_space<vmem>> -> memref<1x128xi32, #tpu.memory_space<vmem>>
      %dma_wait3A_149 = tpu.memref_squeeze %dma_wait3A_148 : memref<1x128xi32, #tpu.memory_space<vmem>> -> memref<128xi32, #tpu.memory_space<vmem>>
      %dma_wait3A_150 = arith.constant 0 : i32
      %dma_wait3A_151 = arith.constant 0 : i32
      %dma_wait3A_152 = tpu.memref_slice %arg12[%dma_wait3A_150, %dma_wait3A_151] : memref<10112x128xf32, #tpu.memory_space<vmem_shared>> -> memref<10112x128xf32, #tpu.memory_space<vmem_shared>>
      tpu.wait_indirect_dma semaphore(%arg15 : memref<!tpu.dma_semaphore, #tpu.memory_space<semaphore_mem>>) src(%arg11 : memref<128x128xf32, #tpu.memory_space<vmem>>) dst(%dma_wait3A_152 : memref<10112x128xf32, #tpu.memory_space<vmem_shared>>)
      %dma_start3A_153 = arith.constant 2 : i32
      %dma_start3A_154 = arith.constant 0 : i32
      %dma_start3A_155 = tpu.memref_slice %arg7[%dma_start3A_153, %dma_start3A_154] : memref<4x128xi32, #tpu.memory_space<vmem>> -> memref<1x128xi32, #tpu.memory_space<vmem>>
      %dma_start3A_156 = tpu.memref_squeeze %dma_start3A_155 : memref<1x128xi32, #tpu.memory_space<vmem>> -> memref<128xi32, #tpu.memory_space<vmem>>
      %dma_start3A_157 = arith.constant 0 : i32
      %dma_start3A_158 = arith.constant 0 : i32
      %dma_start3A_159 = tpu.memref_slice %arg12[%dma_start3A_157, %dma_start3A_158] : memref<10112x128xf32, #tpu.memory_space<vmem_shared>> -> memref<10112x128xf32, #tpu.memory_space<vmem_shared>>
      tpu.enqueue_indirect_dma source(%arg10 : memref<128x128xf32, #tpu.memory_space<vmem>>) target(%dma_start3A_159 : memref<10112x128xf32, #tpu.memory_space<vmem_shared>>) offsets(%dma_start3A_156 : memref<128xi32, #tpu.memory_space<vmem>>) semaphore(%arg15 : memref<!tpu.dma_semaphore, #tpu.memory_space<semaphore_mem>>) {add = true}
      %dma_start3A_160 = arith.constant 3 : i32
      %dma_start3A_161 = arith.constant 0 : i32
      %dma_start3A_162 = tpu.memref_slice %arg6[%dma_start3A_160, %dma_start3A_161] : memref<4x128xi32, #tpu.memory_space<vmem>> -> memref<1x128xi32, #tpu.memory_space<vmem>>
      %dma_start3A_163 = tpu.memref_squeeze %dma_start3A_162 : memref<1x128xi32, #tpu.memory_space<vmem>> -> memref<128xi32, #tpu.memory_space<vmem>>
      %dma_start3A_164 = arith.constant 0 : i32
      %dma_start3A_165 = arith.constant 0 : i32
      %dma_start3A_166 = tpu.memref_slice %arg2[%dma_start3A_164, %dma_start3A_165] : memref<10000x128xf32, #tpu.memory_space<hbm>> -> memref<10000x128xf32, #tpu.memory_space<hbm>>
      tpu.enqueue_indirect_dma source(%dma_start3A_166 : memref<10000x128xf32, #tpu.memory_space<hbm>>) target(%arg11 : memref<128x128xf32, #tpu.memory_space<vmem>>) offsets(%dma_start3A_163 : memref<128xi32, #tpu.memory_space<vmem>>) semaphore(%arg14 : memref<!tpu.dma_semaphore, #tpu.memory_space<semaphore_mem>>)
      %mul3A_167 = arith.constant 80 : i32
      %mul3A_168 = arith.muli %add3A, %mul3A_167 : i32
      %mul3A_169 = arith.constant 8 : i32
      %mul3A_170 = arith.muli %scan3A_38, %mul3A_169 : i32
      %add3A_171 = arith.addi %mul3A_168, %mul3A_170 : i32
      %add3A_172 = arith.constant 4 : i32
      %add3A_173 = arith.addi %add3A_171, %add3A_172 : i32
      %dma_wait3A_174 = arith.constant 0 : i32
      %dma_wait3A_175 = arith.constant 0 : i32
      %dma_wait3A_176 = tpu.memref_slice %arg3[%dma_wait3A_174, %add3A_173, %dma_wait3A_175] : memref<2x2560x128xi32, #tpu.memory_space<hbm>> -> memref<1x4x128xi32, #tpu.memory_space<hbm>>
      %dma_wait3A_177 = tpu.memref_squeeze %dma_wait3A_176 : memref<1x4x128xi32, #tpu.memory_space<hbm>> -> memref<4x128xi32, #tpu.memory_space<hbm>>
      %dma_wait3A_178 = arith.constant 0 : i32
      %dma_wait3A_179 = tpu.memref_slice %arg3[%dma_wait3A_174, %add3A_173, %dma_wait3A_178] : memref<2x2560x128xi32, #tpu.memory_space<hbm>> -> memref<1x4x128xi32, #tpu.memory_space<hbm>>
      %dma_wait3A_180 = tpu.memref_squeeze %dma_wait3A_179 : memref<1x4x128xi32, #tpu.memory_space<hbm>> -> memref<4x128xi32, #tpu.memory_space<hbm>>
      tpu.wait_dma2 semaphore(%arg17 : memref<!tpu.dma_semaphore, #tpu.memory_space<semaphore_mem>>) src(%dma_wait3A_180 : memref<4x128xi32, #tpu.memory_space<hbm>>) dst(%arg8 : memref<4x128xi32, #tpu.memory_space<vmem>>)
      %dma_wait3A_181 = arith.constant 1 : i32
      %dma_wait3A_182 = arith.constant 0 : i32
      %dma_wait3A_183 = tpu.memref_slice %arg3[%dma_wait3A_181, %add3A_173, %dma_wait3A_182] : memref<2x2560x128xi32, #tpu.memory_space<hbm>> -> memref<1x4x128xi32, #tpu.memory_space<hbm>>
      %dma_wait3A_184 = tpu.memref_squeeze %dma_wait3A_183 : memref<1x4x128xi32, #tpu.memory_space<hbm>> -> memref<4x128xi32, #tpu.memory_space<hbm>>
      %dma_wait3A_185 = arith.constant 0 : i32
      %dma_wait3A_186 = tpu.memref_slice %arg3[%dma_wait3A_181, %add3A_173, %dma_wait3A_185] : memref<2x2560x128xi32, #tpu.memory_space<hbm>> -> memref<1x4x128xi32, #tpu.memory_space<hbm>>
      %dma_wait3A_187 = tpu.memref_squeeze %dma_wait3A_186 : memref<1x4x128xi32, #tpu.memory_space<hbm>> -> memref<4x128xi32, #tpu.memory_space<hbm>>
      tpu.wait_dma2 semaphore(%arg17 : memref<!tpu.dma_semaphore, #tpu.memory_space<semaphore_mem>>) src(%dma_wait3A_187 : memref<4x128xi32, #tpu.memory_space<hbm>>) dst(%arg9 : memref<4x128xi32, #tpu.memory_space<vmem>>)
      %dma_wait3A_188 = arith.constant 3 : i32
      %dma_wait3A_189 = arith.constant 0 : i32
      %dma_wait3A_190 = tpu.memref_slice %arg6[%dma_wait3A_188, %dma_wait3A_189] : memref<4x128xi32, #tpu.memory_space<vmem>> -> memref<1x128xi32, #tpu.memory_space<vmem>>
      %dma_wait3A_191 = tpu.memref_squeeze %dma_wait3A_190 : memref<1x128xi32, #tpu.memory_space<vmem>> -> memref<128xi32, #tpu.memory_space<vmem>>
      %dma_wait3A_192 = arith.constant 0 : i32
      %dma_wait3A_193 = arith.constant 0 : i32
      %dma_wait3A_194 = tpu.memref_slice %arg2[%dma_wait3A_192, %dma_wait3A_193] : memref<10000x128xf32, #tpu.memory_space<hbm>> -> memref<10000x128xf32, #tpu.memory_space<hbm>>
      tpu.wait_indirect_dma semaphore(%arg14 : memref<!tpu.dma_semaphore, #tpu.memory_space<semaphore_mem>>) src(%dma_wait3A_194 : memref<10000x128xf32, #tpu.memory_space<hbm>>) dst(%arg11 : memref<128x128xf32, #tpu.memory_space<vmem>>)
      %dma_wait3A_195 = arith.constant 2 : i32
      %dma_wait3A_196 = arith.constant 0 : i32
      %dma_wait3A_197 = tpu.memref_slice %arg7[%dma_wait3A_195, %dma_wait3A_196] : memref<4x128xi32, #tpu.memory_space<vmem>> -> memref<1x128xi32, #tpu.memory_space<vmem>>
      %dma_wait3A_198 = tpu.memref_squeeze %dma_wait3A_197 : memref<1x128xi32, #tpu.memory_space<vmem>> -> memref<128xi32, #tpu.memory_space<vmem>>
      %dma_wait3A_199 = arith.constant 0 : i32
      %dma_wait3A_200 = arith.constant 0 : i32
      %dma_wait3A_201 = tpu.memref_slice %arg12[%dma_wait3A_199, %dma_wait3A_200] : memref<10112x128xf32, #tpu.memory_space<vmem_shared>> -> memref<10112x128xf32, #tpu.memory_space<vmem_shared>>
      tpu.wait_indirect_dma semaphore(%arg15 : memref<!tpu.dma_semaphore, #tpu.memory_space<semaphore_mem>>) src(%arg10 : memref<128x128xf32, #tpu.memory_space<vmem>>) dst(%dma_wait3A_201 : memref<10112x128xf32, #tpu.memory_space<vmem_shared>>)
      %dma_start3A_202 = arith.constant 3 : i32
      %dma_start3A_203 = arith.constant 0 : i32
      %dma_start3A_204 = tpu.memref_slice %arg7[%dma_start3A_202, %dma_start3A_203] : memref<4x128xi32, #tpu.memory_space<vmem>> -> memref<1x128xi32, #tpu.memory_space<vmem>>
      %dma_start3A_205 = tpu.memref_squeeze %dma_start3A_204 : memref<1x128xi32, #tpu.memory_space<vmem>> -> memref<128xi32, #tpu.memory_space<vmem>>
      %dma_start3A_206 = arith.constant 0 : i32
      %dma_start3A_207 = arith.constant 0 : i32
      %dma_start3A_208 = tpu.memref_slice %arg12[%dma_start3A_206, %dma_start3A_207] : memref<10112x128xf32, #tpu.memory_space<vmem_shared>> -> memref<10112x128xf32, #tpu.memory_space<vmem_shared>>
      tpu.enqueue_indirect_dma source(%arg11 : memref<128x128xf32, #tpu.memory_space<vmem>>) target(%dma_start3A_208 : memref<10112x128xf32, #tpu.memory_space<vmem_shared>>) offsets(%dma_start3A_205 : memref<128xi32, #tpu.memory_space<vmem>>) semaphore(%arg15 : memref<!tpu.dma_semaphore, #tpu.memory_space<semaphore_mem>>) {add = true}
      %dma_start3A_209 = arith.constant 0 : i32
      %dma_start3A_210 = arith.constant 0 : i32
      %dma_start3A_211 = tpu.memref_slice %arg8[%dma_start3A_209, %dma_start3A_210] : memref<4x128xi32, #tpu.memory_space<vmem>> -> memref<1x128xi32, #tpu.memory_space<vmem>>
      %dma_start3A_212 = tpu.memref_squeeze %dma_start3A_211 : memref<1x128xi32, #tpu.memory_space<vmem>> -> memref<128xi32, #tpu.memory_space<vmem>>
      %dma_start3A_213 = arith.constant 0 : i32
      %dma_start3A_214 = arith.constant 0 : i32
      %dma_start3A_215 = tpu.memref_slice %arg2[%dma_start3A_213, %dma_start3A_214] : memref<10000x128xf32, #tpu.memory_space<hbm>> -> memref<10000x128xf32, #tpu.memory_space<hbm>>
      tpu.enqueue_indirect_dma source(%dma_start3A_215 : memref<10000x128xf32, #tpu.memory_space<hbm>>) target(%arg10 : memref<128x128xf32, #tpu.memory_space<vmem>>) offsets(%dma_start3A_212 : memref<128xi32, #tpu.memory_space<vmem>>) semaphore(%arg13 : memref<!tpu.dma_semaphore, #tpu.memory_space<semaphore_mem>>)
      %dma_wait3A_216 = arith.constant 0 : i32
      %dma_wait3A_217 = arith.constant 0 : i32
      %dma_wait3A_218 = tpu.memref_slice %arg8[%dma_wait3A_216, %dma_wait3A_217] : memref<4x128xi32, #tpu.memory_space<vmem>> -> memref<1x128xi32, #tpu.memory_space<vmem>>
      %dma_wait3A_219 = tpu.memref_squeeze %dma_wait3A_218 : memref<1x128xi32, #tpu.memory_space<vmem>> -> memref<128xi32, #tpu.memory_space<vmem>>
      %dma_wait3A_220 = arith.constant 0 : i32
      %dma_wait3A_221 = arith.constant 0 : i32
      %dma_wait3A_222 = tpu.memref_slice %arg2[%dma_wait3A_220, %dma_wait3A_221] : memref<10000x128xf32, #tpu.memory_space<hbm>> -> memref<10000x128xf32, #tpu.memory_space<hbm>>
      tpu.wait_indirect_dma semaphore(%arg13 : memref<!tpu.dma_semaphore, #tpu.memory_space<semaphore_mem>>) src(%dma_wait3A_222 : memref<10000x128xf32, #tpu.memory_space<hbm>>) dst(%arg10 : memref<128x128xf32, #tpu.memory_space<vmem>>)
      %dma_wait3A_223 = arith.constant 3 : i32
      %dma_wait3A_224 = arith.constant 0 : i32
      %dma_wait3A_225 = tpu.memref_slice %arg7[%dma_wait3A_223, %dma_wait3A_224] : memref<4x128xi32, #tpu.memory_space<vmem>> -> memref<1x128xi32, #tpu.memory_space<vmem>>
      %dma_wait3A_226 = tpu.memref_squeeze %dma_wait3A_225 : memref<1x128xi32, #tpu.memory_space<vmem>> -> memref<128xi32, #tpu.memory_space<vmem>>
      %dma_wait3A_227 = arith.constant 0 : i32
      %dma_wait3A_228 = arith.constant 0 : i32
      %dma_wait3A_229 = tpu.memref_slice %arg12[%dma_wait3A_227, %dma_wait3A_228] : memref<10112x128xf32, #tpu.memory_space<vmem_shared>> -> memref<10112x128xf32, #tpu.memory_space<vmem_shared>>
      tpu.wait_indirect_dma semaphore(%arg15 : memref<!tpu.dma_semaphore, #tpu.memory_space<semaphore_mem>>) src(%arg11 : memref<128x128xf32, #tpu.memory_space<vmem>>) dst(%dma_wait3A_229 : memref<10112x128xf32, #tpu.memory_space<vmem_shared>>)
      %dma_start3A_230 = arith.constant 0 : i32
      %dma_start3A_231 = arith.constant 0 : i32
      %dma_start3A_232 = tpu.memref_slice %arg9[%dma_start3A_230, %dma_start3A_231] : memref<4x128xi32, #tpu.memory_space<vmem>> -> memref<1x128xi32, #tpu.memory_space<vmem>>
      %dma_start3A_233 = tpu.memref_squeeze %dma_start3A_232 : memref<1x128xi32, #tpu.memory_space<vmem>> -> memref<128xi32, #tpu.memory_space<vmem>>
      %dma_start3A_234 = arith.constant 0 : i32
      %dma_start3A_235 = arith.constant 0 : i32
      %dma_start3A_236 = tpu.memref_slice %arg12[%dma_start3A_234, %dma_start3A_235] : memref<10112x128xf32, #tpu.memory_space<vmem_shared>> -> memref<10112x128xf32, #tpu.memory_space<vmem_shared>>
      tpu.enqueue_indirect_dma source(%arg10 : memref<128x128xf32, #tpu.memory_space<vmem>>) target(%dma_start3A_236 : memref<10112x128xf32, #tpu.memory_space<vmem_shared>>) offsets(%dma_start3A_233 : memref<128xi32, #tpu.memory_space<vmem>>) semaphore(%arg15 : memref<!tpu.dma_semaphore, #tpu.memory_space<semaphore_mem>>) {add = true}
      %dma_start3A_237 = arith.constant 1 : i32
      %dma_start3A_238 = arith.constant 0 : i32
      %dma_start3A_239 = tpu.memref_slice %arg8[%dma_start3A_237, %dma_start3A_238] : memref<4x128xi32, #tpu.memory_space<vmem>> -> memref<1x128xi32, #tpu.memory_space<vmem>>
      %dma_start3A_240 = tpu.memref_squeeze %dma_start3A_239 : memref<1x128xi32, #tpu.memory_space<vmem>> -> memref<128xi32, #tpu.memory_space<vmem>>
      %dma_start3A_241 = arith.constant 0 : i32
      %dma_start3A_242 = arith.constant 0 : i32
      %dma_start3A_243 = tpu.memref_slice %arg2[%dma_start3A_241, %dma_start3A_242] : memref<10000x128xf32, #tpu.memory_space<hbm>> -> memref<10000x128xf32, #tpu.memory_space<hbm>>
      tpu.enqueue_indirect_dma source(%dma_start3A_243 : memref<10000x128xf32, #tpu.memory_space<hbm>>) target(%arg11 : memref<128x128xf32, #tpu.memory_space<vmem>>) offsets(%dma_start3A_240 : memref<128xi32, #tpu.memory_space<vmem>>) semaphore(%arg14 : memref<!tpu.dma_semaphore, #tpu.memory_space<semaphore_mem>>)
      %add3A_244 = arith.constant 1 : i32
      %add3A_245 = arith.addi %scan3A_38, %add3A_244 : i32
      %lt3A = arith.constant 10 : i32
      %lt3A_246 = arith.cmpi slt, %add3A_245, %lt3A : i32
      %convert_element_type3A_247 = arith.extui %lt3A_246 : i1 to i32
      %cond3A_248 = arith.constant 0 : i32
      %cond3A_249 = arith.cmpi ne, %convert_element_type3A_247, %cond3A_248 : i32
      scf.if %cond3A_249 {
        %add3A_327 = arith.constant 1 : i32
        %add3A_328 = arith.addi %scan3A_38, %add3A_327 : i32
        %mul3A_329 = arith.constant 80 : i32
        %mul3A_330 = arith.muli %add3A, %mul3A_329 : i32
        %mul3A_331 = arith.constant 8 : i32
        %mul3A_332 = arith.muli %add3A_328, %mul3A_331 : i32
        %add3A_333 = arith.addi %mul3A_330, %mul3A_332 : i32
        %add3A_334 = arith.constant 0 : i32
        %add3A_335 = arith.addi %add3A_333, %add3A_334 : i32
        %dma_start3A_336 = arith.constant 0 : i32
        %dma_start3A_337 = arith.constant 0 : i32
        %dma_start3A_338 = tpu.memref_slice %arg3[%dma_start3A_336, %add3A_335, %dma_start3A_337] : memref<2x2560x128xi32, #tpu.memory_space<hbm>> -> memref<1x4x128xi32, #tpu.memory_space<hbm>>
        %dma_start3A_339 = tpu.memref_squeeze %dma_start3A_338 : memref<1x4x128xi32, #tpu.memory_space<hbm>> -> memref<4x128xi32, #tpu.memory_space<hbm>>
        %dma_start3A_340 = arith.constant 0 : i32
        %dma_start3A_341 = tpu.memref_slice %arg3[%dma_start3A_336, %add3A_335, %dma_start3A_340] : memref<2x2560x128xi32, #tpu.memory_space<hbm>> -> memref<1x4x128xi32, #tpu.memory_space<hbm>>
        %dma_start3A_342 = tpu.memref_squeeze %dma_start3A_341 : memref<1x4x128xi32, #tpu.memory_space<hbm>> -> memref<4x128xi32, #tpu.memory_space<hbm>>
        tpu.enqueue_dma source(%dma_start3A_342 : memref<4x128xi32, #tpu.memory_space<hbm>>) target(%arg6 : memref<4x128xi32, #tpu.memory_space<vmem>>) target_semaphore(%arg16 : memref<!tpu.dma_semaphore, #tpu.memory_space<semaphore_mem>>)
        %dma_start3A_343 = arith.constant 1 : i32
        %dma_start3A_344 = arith.constant 0 : i32
        %dma_start3A_345 = tpu.memref_slice %arg3[%dma_start3A_343, %add3A_335, %dma_start3A_344] : memref<2x2560x128xi32, #tpu.memory_space<hbm>> -> memref<1x4x128xi32, #tpu.memory_space<hbm>>
        %dma_start3A_346 = tpu.memref_squeeze %dma_start3A_345 : memref<1x4x128xi32, #tpu.memory_space<hbm>> -> memref<4x128xi32, #tpu.memory_space<hbm>>
        %dma_start3A_347 = arith.constant 0 : i32
        %dma_start3A_348 = tpu.memref_slice %arg3[%dma_start3A_343, %add3A_335, %dma_start3A_347] : memref<2x2560x128xi32, #tpu.memory_space<hbm>> -> memref<1x4x128xi32, #tpu.memory_space<hbm>>
        %dma_start3A_349 = tpu.memref_squeeze %dma_start3A_348 : memref<1x4x128xi32, #tpu.memory_space<hbm>> -> memref<4x128xi32, #tpu.memory_space<hbm>>
        tpu.enqueue_dma source(%dma_start3A_349 : memref<4x128xi32, #tpu.memory_space<hbm>>) target(%arg7 : memref<4x128xi32, #tpu.memory_space<vmem>>) target_semaphore(%arg16 : memref<!tpu.dma_semaphore, #tpu.memory_space<semaphore_mem>>)
      } else {
      }
      %dma_wait3A_250 = arith.constant 1 : i32
      %dma_wait3A_251 = arith.constant 0 : i32
      %dma_wait3A_252 = tpu.memref_slice %arg8[%dma_wait3A_250, %dma_wait3A_251] : memref<4x128xi32, #tpu.memory_space<vmem>> -> memref<1x128xi32, #tpu.memory_space<vmem>>
      %dma_wait3A_253 = tpu.memref_squeeze %dma_wait3A_252 : memref<1x128xi32, #tpu.memory_space<vmem>> -> memref<128xi32, #tpu.memory_space<vmem>>
      %dma_wait3A_254 = arith.constant 0 : i32
      %dma_wait3A_255 = arith.constant 0 : i32
      %dma_wait3A_256 = tpu.memref_slice %arg2[%dma_wait3A_254, %dma_wait3A_255] : memref<10000x128xf32, #tpu.memory_space<hbm>> -> memref<10000x128xf32, #tpu.memory_space<hbm>>
      tpu.wait_indirect_dma semaphore(%arg14 : memref<!tpu.dma_semaphore, #tpu.memory_space<semaphore_mem>>) src(%dma_wait3A_256 : memref<10000x128xf32, #tpu.memory_space<hbm>>) dst(%arg11 : memref<128x128xf32, #tpu.memory_space<vmem>>)
      %dma_wait3A_257 = arith.constant 0 : i32
      %dma_wait3A_258 = arith.constant 0 : i32
      %dma_wait3A_259 = tpu.memref_slice %arg9[%dma_wait3A_257, %dma_wait3A_258] : memref<4x128xi32, #tpu.memory_space<vmem>> -> memref<1x128xi32, #tpu.memory_space<vmem>>
      %dma_wait3A_260 = tpu.memref_squeeze %dma_wait3A_259 : memref<1x128xi32, #tpu.memory_space<vmem>> -> memref<128xi32, #tpu.memory_space<vmem>>
      %dma_wait3A_261 = arith.constant 0 : i32
      %dma_wait3A_262 = arith.constant 0 : i32
      %dma_wait3A_263 = tpu.memref_slice %arg12[%dma_wait3A_261, %dma_wait3A_262] : memref<10112x128xf32, #tpu.memory_space<vmem_shared>> -> memref<10112x128xf32, #tpu.memory_space<vmem_shared>>
      tpu.wait_indirect_dma semaphore(%arg15 : memref<!tpu.dma_semaphore, #tpu.memory_space<semaphore_mem>>) src(%arg10 : memref<128x128xf32, #tpu.memory_space<vmem>>) dst(%dma_wait3A_263 : memref<10112x128xf32, #tpu.memory_space<vmem_shared>>)
      %dma_start3A_264 = arith.constant 1 : i32
      %dma_start3A_265 = arith.constant 0 : i32
      %dma_start3A_266 = tpu.memref_slice %arg9[%dma_start3A_264, %dma_start3A_265] : memref<4x128xi32, #tpu.memory_space<vmem>> -> memref<1x128xi32, #tpu.memory_space<vmem>>
      %dma_start3A_267 = tpu.memref_squeeze %dma_start3A_266 : memref<1x128xi32, #tpu.memory_space<vmem>> -> memref<128xi32, #tpu.memory_space<vmem>>
      %dma_start3A_268 = arith.constant 0 : i32
      %dma_start3A_269 = arith.constant 0 : i32
      %dma_start3A_270 = tpu.memref_slice %arg12[%dma_start3A_268, %dma_start3A_269] : memref<10112x128xf32, #tpu.memory_space<vmem_shared>> -> memref<10112x128xf32, #tpu.memory_space<vmem_shared>>
      tpu.enqueue_indirect_dma source(%arg11 : memref<128x128xf32, #tpu.memory_space<vmem>>) target(%dma_start3A_270 : memref<10112x128xf32, #tpu.memory_space<vmem_shared>>) offsets(%dma_start3A_267 : memref<128xi32, #tpu.memory_space<vmem>>) semaphore(%arg15 : memref<!tpu.dma_semaphore, #tpu.memory_space<semaphore_mem>>) {add = true}
      %dma_start3A_271 = arith.constant 2 : i32
      %dma_start3A_272 = arith.constant 0 : i32
      %dma_start3A_273 = tpu.memref_slice %arg8[%dma_start3A_271, %dma_start3A_272] : memref<4x128xi32, #tpu.memory_space<vmem>> -> memref<1x128xi32, #tpu.memory_space<vmem>>
      %dma_start3A_274 = tpu.memref_squeeze %dma_start3A_273 : memref<1x128xi32, #tpu.memory_space<vmem>> -> memref<128xi32, #tpu.memory_space<vmem>>
      %dma_start3A_275 = arith.constant 0 : i32
      %dma_start3A_276 = arith.constant 0 : i32
      %dma_start3A_277 = tpu.memref_slice %arg2[%dma_start3A_275, %dma_start3A_276] : memref<10000x128xf32, #tpu.memory_space<hbm>> -> memref<10000x128xf32, #tpu.memory_space<hbm>>
      tpu.enqueue_indirect_dma source(%dma_start3A_277 : memref<10000x128xf32, #tpu.memory_space<hbm>>) target(%arg10 : memref<128x128xf32, #tpu.memory_space<vmem>>) offsets(%dma_start3A_274 : memref<128xi32, #tpu.memory_space<vmem>>) semaphore(%arg13 : memref<!tpu.dma_semaphore, #tpu.memory_space<semaphore_mem>>)
      %dma_wait3A_278 = arith.constant 2 : i32
      %dma_wait3A_279 = arith.constant 0 : i32
      %dma_wait3A_280 = tpu.memref_slice %arg8[%dma_wait3A_278, %dma_wait3A_279] : memref<4x128xi32, #tpu.memory_space<vmem>> -> memref<1x128xi32, #tpu.memory_space<vmem>>
      %dma_wait3A_281 = tpu.memref_squeeze %dma_wait3A_280 : memref<1x128xi32, #tpu.memory_space<vmem>> -> memref<128xi32, #tpu.memory_space<vmem>>
      %dma_wait3A_282 = arith.constant 0 : i32
      %dma_wait3A_283 = arith.constant 0 : i32
      %dma_wait3A_284 = tpu.memref_slice %arg2[%dma_wait3A_282, %dma_wait3A_283] : memref<10000x128xf32, #tpu.memory_space<hbm>> -> memref<10000x128xf32, #tpu.memory_space<hbm>>
      tpu.wait_indirect_dma semaphore(%arg13 : memref<!tpu.dma_semaphore, #tpu.memory_space<semaphore_mem>>) src(%dma_wait3A_284 : memref<10000x128xf32, #tpu.memory_space<hbm>>) dst(%arg10 : memref<128x128xf32, #tpu.memory_space<vmem>>)
      %dma_wait3A_285 = arith.constant 1 : i32
      %dma_wait3A_286 = arith.constant 0 : i32
      %dma_wait3A_287 = tpu.memref_slice %arg9[%dma_wait3A_285, %dma_wait3A_286] : memref<4x128xi32, #tpu.memory_space<vmem>> -> memref<1x128xi32, #tpu.memory_space<vmem>>
      %dma_wait3A_288 = tpu.memref_squeeze %dma_wait3A_287 : memref<1x128xi32, #tpu.memory_space<vmem>> -> memref<128xi32, #tpu.memory_space<vmem>>
      %dma_wait3A_289 = arith.constant 0 : i32
      %dma_wait3A_290 = arith.constant 0 : i32
      %dma_wait3A_291 = tpu.memref_slice %arg12[%dma_wait3A_289, %dma_wait3A_290] : memref<10112x128xf32, #tpu.memory_space<vmem_shared>> -> memref<10112x128xf32, #tpu.memory_space<vmem_shared>>
      tpu.wait_indirect_dma semaphore(%arg15 : memref<!tpu.dma_semaphore, #tpu.memory_space<semaphore_mem>>) src(%arg11 : memref<128x128xf32, #tpu.memory_space<vmem>>) dst(%dma_wait3A_291 : memref<10112x128xf32, #tpu.memory_space<vmem_shared>>)
      %dma_start3A_292 = arith.constant 2 : i32
      %dma_start3A_293 = arith.constant 0 : i32
      %dma_start3A_294 = tpu.memref_slice %arg9[%dma_start3A_292, %dma_start3A_293] : memref<4x128xi32, #tpu.memory_space<vmem>> -> memref<1x128xi32, #tpu.memory_space<vmem>>
      %dma_start3A_295 = tpu.memref_squeeze %dma_start3A_294 : memref<1x128xi32, #tpu.memory_space<vmem>> -> memref<128xi32, #tpu.memory_space<vmem>>
      %dma_start3A_296 = arith.constant 0 : i32
      %dma_start3A_297 = arith.constant 0 : i32
      %dma_start3A_298 = tpu.memref_slice %arg12[%dma_start3A_296, %dma_start3A_297] : memref<10112x128xf32, #tpu.memory_space<vmem_shared>> -> memref<10112x128xf32, #tpu.memory_space<vmem_shared>>
      tpu.enqueue_indirect_dma source(%arg10 : memref<128x128xf32, #tpu.memory_space<vmem>>) target(%dma_start3A_298 : memref<10112x128xf32, #tpu.memory_space<vmem_shared>>) offsets(%dma_start3A_295 : memref<128xi32, #tpu.memory_space<vmem>>) semaphore(%arg15 : memref<!tpu.dma_semaphore, #tpu.memory_space<semaphore_mem>>) {add = true}
      %dma_start3A_299 = arith.constant 3 : i32
      %dma_start3A_300 = arith.constant 0 : i32
      %dma_start3A_301 = tpu.memref_slice %arg8[%dma_start3A_299, %dma_start3A_300] : memref<4x128xi32, #tpu.memory_space<vmem>> -> memref<1x128xi32, #tpu.memory_space<vmem>>
      %dma_start3A_302 = tpu.memref_squeeze %dma_start3A_301 : memref<1x128xi32, #tpu.memory_space<vmem>> -> memref<128xi32, #tpu.memory_space<vmem>>
      %dma_start3A_303 = arith.constant 0 : i32
      %dma_start3A_304 = arith.constant 0 : i32
      %dma_start3A_305 = tpu.memref_slice %arg2[%dma_start3A_303, %dma_start3A_304] : memref<10000x128xf32, #tpu.memory_space<hbm>> -> memref<10000x128xf32, #tpu.memory_space<hbm>>
      tpu.enqueue_indirect_dma source(%dma_start3A_305 : memref<10000x128xf32, #tpu.memory_space<hbm>>) target(%arg11 : memref<128x128xf32, #tpu.memory_space<vmem>>) offsets(%dma_start3A_302 : memref<128xi32, #tpu.memory_space<vmem>>) semaphore(%arg14 : memref<!tpu.dma_semaphore, #tpu.memory_space<semaphore_mem>>)
      %dma_wait3A_306 = arith.constant 3 : i32
      %dma_wait3A_307 = arith.constant 0 : i32
      %dma_wait3A_308 = tpu.memref_slice %arg8[%dma_wait3A_306, %dma_wait3A_307] : memref<4x128xi32, #tpu.memory_space<vmem>> -> memref<1x128xi32, #tpu.memory_space<vmem>>
      %dma_wait3A_309 = tpu.memref_squeeze %dma_wait3A_308 : memref<1x128xi32, #tpu.memory_space<vmem>> -> memref<128xi32, #tpu.memory_space<vmem>>
      %dma_wait3A_310 = arith.constant 0 : i32
      %dma_wait3A_311 = arith.constant 0 : i32
      %dma_wait3A_312 = tpu.memref_slice %arg2[%dma_wait3A_310, %dma_wait3A_311] : memref<10000x128xf32, #tpu.memory_space<hbm>> -> memref<10000x128xf32, #tpu.memory_space<hbm>>
      tpu.wait_indirect_dma semaphore(%arg14 : memref<!tpu.dma_semaphore, #tpu.memory_space<semaphore_mem>>) src(%dma_wait3A_312 : memref<10000x128xf32, #tpu.memory_space<hbm>>) dst(%arg11 : memref<128x128xf32, #tpu.memory_space<vmem>>)
      %dma_wait3A_313 = arith.constant 2 : i32
      %dma_wait3A_314 = arith.constant 0 : i32
      %dma_wait3A_315 = tpu.memref_slice %arg9[%dma_wait3A_313, %dma_wait3A_314] : memref<4x128xi32, #tpu.memory_space<vmem>> -> memref<1x128xi32, #tpu.memory_space<vmem>>
      %dma_wait3A_316 = tpu.memref_squeeze %dma_wait3A_315 : memref<1x128xi32, #tpu.memory_space<vmem>> -> memref<128xi32, #tpu.memory_space<vmem>>
      %dma_wait3A_317 = arith.constant 0 : i32
      %dma_wait3A_318 = arith.constant 0 : i32
      %dma_wait3A_319 = tpu.memref_slice %arg12[%dma_wait3A_317, %dma_wait3A_318] : memref<10112x128xf32, #tpu.memory_space<vmem_shared>> -> memref<10112x128xf32, #tpu.memory_space<vmem_shared>>
      tpu.wait_indirect_dma semaphore(%arg15 : memref<!tpu.dma_semaphore, #tpu.memory_space<semaphore_mem>>) src(%arg10 : memref<128x128xf32, #tpu.memory_space<vmem>>) dst(%dma_wait3A_319 : memref<10112x128xf32, #tpu.memory_space<vmem_shared>>)
      %dma_start3A_320 = arith.constant 3 : i32
      %dma_start3A_321 = arith.constant 0 : i32
      %dma_start3A_322 = tpu.memref_slice %arg9[%dma_start3A_320, %dma_start3A_321] : memref<4x128xi32, #tpu.memory_space<vmem>> -> memref<1x128xi32, #tpu.memory_space<vmem>>
      %dma_start3A_323 = tpu.memref_squeeze %dma_start3A_322 : memref<1x128xi32, #tpu.memory_space<vmem>> -> memref<128xi32, #tpu.memory_space<vmem>>
      %dma_start3A_324 = arith.constant 0 : i32
      %dma_start3A_325 = arith.constant 0 : i32
      %dma_start3A_326 = tpu.memref_slice %arg12[%dma_start3A_324, %dma_start3A_325] : memref<10112x128xf32, #tpu.memory_space<vmem_shared>> -> memref<10112x128xf32, #tpu.memory_space<vmem_shared>>
      tpu.enqueue_indirect_dma source(%arg11 : memref<128x128xf32, #tpu.memory_space<vmem>>) target(%dma_start3A_326 : memref<10112x128xf32, #tpu.memory_space<vmem_shared>>) offsets(%dma_start3A_323 : memref<128xi32, #tpu.memory_space<vmem>>) semaphore(%arg15 : memref<!tpu.dma_semaphore, #tpu.memory_space<semaphore_mem>>) {add = true}
    }
    %scan3A_26 = arith.constant 10 : i32
    %dma_wait3A = arith.constant 3 : i32
    %dma_wait3A_27 = arith.constant 0 : i32
    %dma_wait3A_28 = tpu.memref_slice %arg9[%dma_wait3A, %dma_wait3A_27] : memref<4x128xi32, #tpu.memory_space<vmem>> -> memref<1x128xi32, #tpu.memory_space<vmem>>
    %dma_wait3A_29 = tpu.memref_squeeze %dma_wait3A_28 : memref<1x128xi32, #tpu.memory_space<vmem>> -> memref<128xi32, #tpu.memory_space<vmem>>
    %dma_wait3A_30 = arith.constant 0 : i32
    %dma_wait3A_31 = arith.constant 0 : i32
    %dma_wait3A_32 = tpu.memref_slice %arg12[%dma_wait3A_30, %dma_wait3A_31] : memref<10112x128xf32, #tpu.memory_space<vmem_shared>> -> memref<10112x128xf32, #tpu.memory_space<vmem_shared>>
    tpu.wait_indirect_dma semaphore(%arg15 : memref<!tpu.dma_semaphore, #tpu.memory_space<semaphore_mem>>) src(%arg11 : memref<128x128xf32, #tpu.memory_space<vmem>>) dst(%dma_wait3A_32 : memref<10112x128xf32, #tpu.memory_space<vmem_shared>>)
    %barrier3A_33 = arith.constant 0 : index
    tpu.barrier barrier_id(%barrier3A_33)
    %mul3A_34 = arith.constant 632 : i32
    %mul3A_35 = arith.muli %arg1, %mul3A_34 : i32
    %mul3A_36 = arith.constant 632 : i32
    %mul3A_37 = arith.muli %arg1, %mul3A_36 : i32
    "tpu.region"() ({
      %run_scoped3A = tpu.sem_alloc : memref<!tpu.dma_semaphore, #tpu.memory_space<semaphore_mem>>
      %dma_start3A_38 = arith.constant 0 : i32
      %dma_start3A_39 = tpu.memref_slice %arg5[%arg0, %mul3A_37, %dma_start3A_38] : memref<2x10112x128xf32, #tpu.memory_space<hbm>> -> memref<1x632x128xf32, #tpu.memory_space<hbm>>
      %dma_start3A_40 = tpu.memref_squeeze %dma_start3A_39 : memref<1x632x128xf32, #tpu.memory_space<hbm>> -> memref<632x128xf32, #tpu.memory_space<hbm>>
      %dma_start3A_41 = arith.constant 0 : i32
      %dma_start3A_42 = tpu.memref_slice %arg12[%mul3A_35, %dma_start3A_41] : memref<10112x128xf32, #tpu.memory_space<vmem_shared>> -> memref<632x128xf32, #tpu.memory_space<vmem_shared>>
      tpu.enqueue_dma source(%dma_start3A_42 : memref<632x128xf32, #tpu.memory_space<vmem_shared>>) target(%dma_start3A_40 : memref<632x128xf32, #tpu.memory_space<hbm>>) target_semaphore(%run_scoped3A : memref<!tpu.dma_semaphore, #tpu.memory_space<semaphore_mem>>)
      %dma_wait3A_43 = arith.constant 0 : i32
      %dma_wait3A_44 = tpu.memref_slice %arg5[%arg0, %mul3A_37, %dma_wait3A_43] : memref<2x10112x128xf32, #tpu.memory_space<hbm>> -> memref<1x632x128xf32, #tpu.memory_space<hbm>>
      %dma_wait3A_45 = tpu.memref_squeeze %dma_wait3A_44 : memref<1x632x128xf32, #tpu.memory_space<hbm>> -> memref<632x128xf32, #tpu.memory_space<hbm>>
      %dma_wait3A_46 = arith.constant 0 : i32
      %dma_wait3A_47 = tpu.memref_slice %arg12[%mul3A_35, %dma_wait3A_46] : memref<10112x128xf32, #tpu.memory_space<vmem_shared>> -> memref<632x128xf32, #tpu.memory_space<vmem_shared>>
      tpu.wait_dma2 semaphore(%run_scoped3A : memref<!tpu.dma_semaphore, #tpu.memory_space<semaphore_mem>>) src(%dma_wait3A_47 : memref<632x128xf32, #tpu.memory_space<vmem_shared>>) dst(%dma_wait3A_45 : memref<632x128xf32, #tpu.memory_space<hbm>>)
      tpu.yield
    }) : () -> ()
    return
  }
}

module attributes {stable_mosaic.version = 14 : i64} {
  func.func @_k1t_body(%arg0: i32, %arg1: memref<1000x128xf32, #tpu.memory_space<vmem>>, %arg2: memref<128x128xf32, #tpu.memory_space<vmem>>, %arg3: memref<1000x144xf32, #tpu.memory_space<vmem>>) attributes {dimension_semantics = [#tpu.dimension_semantics<arbitrary>], iteration_bounds = array<i64: 10>, scalar_prefetch = 0 : i64, scratch_operands = 0 : i64, tpu.core_type = #tpu.core_type<tc>, window_params = [{transform_indices = @transform_0, window_bounds = array<i64: 1000, 128>}, {pipeline_mode = #tpu.pipeline_mode<synchronous>, transform_indices = @transform_1, window_bounds = array<i64: 128, 128>}, {transform_indices = @transform_2, window_bounds = array<i64: 1000, 144>}]} {
    %get3A = arith.constant 0 : index
    %get3A_0 = arith.constant 0 : index
    %get3A_1 = vector.load %arg1[%get3A, %get3A_0] : memref<1000x128xf32, #tpu.memory_space<vmem>>, vector<1000x128xf32>
    %get3A_2 = arith.constant 0 : index
    %get3A_3 = arith.constant 0 : index
    %get3A_4 = vector.load %arg2[%get3A_2, %get3A_3] : memref<128x128xf32, #tpu.memory_space<vmem>>, vector<128x128xf32>
    %dot_general3A = arith.constant dense<0.000000e+00> : vector<1000x128xf32>
    %dot_general3A_5 = tpu.matmul %get3A_1, %get3A_4, %dot_general3A {dimension_numbers = #tpu.dot_dimension_numbers<[1], [0], [0], [1], [0, 0, 1, 1], [], []>, transpose_lhs_hint = false} : vector<1000x128xf32>, vector<128x128xf32>, vector<1000x128xf32> -> vector<1000x128xf32>
    %iota3A = tpu.iota {dimensions = array<i32: 1>} : vector<1000x16xi32>
    %eq3A = arith.constant 0 : i32
    %eq3A_6 = vector.broadcast %eq3A : i32 to vector<1000x16xi32>
    %eq3A_7 = arith.cmpi eq, %iota3A, %eq3A_6 : vector<1000x16xi32>
    %jit3A = arith.constant 1.000000e+00 : f32
    %jit3A_8 = arith.constant 0.000000e+00 : f32
    %broadcast_in_dim3A = vector.broadcast %jit3A : f32 to vector<1000x16xf32>
    %broadcast_in_dim3A_9 = vector.broadcast %jit3A_8 : f32 to vector<1000x16xf32>
    %select_n3A = arith.select %eq3A_7, %broadcast_in_dim3A, %broadcast_in_dim3A_9 : vector<1000x16xi1>, vector<1000x16xf32>
    %concatenate3A = tpu.concatenate %dot_general3A_5, %select_n3A in 1 : vector<1000x128xf32>, vector<1000x16xf32> -> vector<1000x144xf32>
    %swap3A = arith.constant 0 : index
    %swap3A_10 = arith.constant 0 : index
    %swap3A_11 = vector.load %arg3[%swap3A, %swap3A_10] : memref<1000x144xf32, #tpu.memory_space<vmem>>, vector<1000x144xf32>
    tpu.vector_store %arg3[%swap3A, %swap3A_10], %concatenate3A {strides = array<i32>} : memref<1000x144xf32, #tpu.memory_space<vmem>>, vector<1000x144xf32>,
    return
  }
  func.func @transform_0(%arg0: i32) -> (i32, i32) {
    %c0_i32 = arith.constant 0 : i32
    %c0_i32_0 = arith.constant 0 : i32
    return %arg0, %c0_i32 : i32, i32
  }
  func.func @transform_1(%arg0: i32) -> (i32, i32) {
    %c0_i32 = arith.constant 0 : i32
    %c0_i32_0 = arith.constant 0 : i32
    %c0_i32_1 = arith.constant 0 : i32
    return %c0_i32, %c0_i32_0 : i32, i32
  }
  func.func @transform_2(%arg0: i32) -> (i32, i32) {
    %c0_i32 = arith.constant 0 : i32
    %c0_i32_0 = arith.constant 0 : i32
    return %arg0, %c0_i32 : i32, i32
  }
}

module attributes {stable_mosaic.version = 14 : i64} {
  func.func @_k1r_body(%arg0: i32, %arg1: memref<1000x128xf32, #tpu.memory_space<vmem>>, %arg2: memref<128x128xf32, #tpu.memory_space<vmem>>, %arg3: memref<1x128xf32, #tpu.memory_space<vmem>>, %arg4: memref<1000x128xf32, #tpu.memory_space<vmem>>) attributes {dimension_semantics = [#tpu.dimension_semantics<arbitrary>], iteration_bounds = array<i64: 10>, scalar_prefetch = 0 : i64, scratch_operands = 0 : i64, tpu.core_type = #tpu.core_type<tc>, window_params = [{transform_indices = @transform_0, window_bounds = array<i64: 1000, 128>}, {pipeline_mode = #tpu.pipeline_mode<synchronous>, transform_indices = @transform_1, window_bounds = array<i64: 128, 128>}, {pipeline_mode = #tpu.pipeline_mode<synchronous>, transform_indices = @transform_2, window_bounds = array<i64: 1, 128>}, {transform_indices = @transform_3, window_bounds = array<i64: 1000, 128>}]} {
    %get3A = arith.constant 0 : index
    %get3A_0 = arith.constant 0 : index
    %get3A_1 = vector.load %arg1[%get3A, %get3A_0] : memref<1000x128xf32, #tpu.memory_space<vmem>>, vector<1000x128xf32>
    %get3A_2 = arith.constant 0 : index
    %get3A_3 = arith.constant 0 : index
    %get3A_4 = vector.load %arg2[%get3A_2, %get3A_3] : memref<128x128xf32, #tpu.memory_space<vmem>>, vector<128x128xf32>
    %dot_general3A = arith.constant dense<0.000000e+00> : vector<1000x128xf32>
    %dot_general3A_5 = tpu.matmul %get3A_1, %get3A_4, %dot_general3A {dimension_numbers = #tpu.dot_dimension_numbers<[1], [0], [0], [1], [0, 0, 1, 1], [], []>, transpose_lhs_hint = false} : vector<1000x128xf32>, vector<128x128xf32>, vector<1000x128xf32> -> vector<1000x128xf32>
    %get3A_6 = arith.constant 0 : index
    %get3A_7 = arith.constant 0 : index
    %get3A_8 = vector.load %arg3[%get3A_6, %get3A_7] : memref<1x128xf32, #tpu.memory_space<vmem>>, vector<1x128xf32>
    %add3A = vector.broadcast %get3A_8 : vector<1x128xf32> to vector<1000x128xf32>
    %add3A_9 = arith.addf %dot_general3A_5, %add3A : vector<1000x128xf32>
    %swap3A = arith.constant 0 : index
    %swap3A_10 = arith.constant 0 : index
    %swap3A_11 = vector.load %arg4[%swap3A, %swap3A_10] : memref<1000x128xf32, #tpu.memory_space<vmem>>, vector<1000x128xf32>
    tpu.vector_store %arg4[%swap3A, %swap3A_10], %add3A_9 {strides = array<i32>} : memref<1000x128xf32, #tpu.memory_space<vmem>>, vector<1000x128xf32>,
    return
  }
  func.func @transform_0(%arg0: i32) -> (i32, i32) {
    %c0_i32 = arith.constant 0 : i32
    %c0_i32_0 = arith.constant 0 : i32
    return %arg0, %c0_i32 : i32, i32
  }
  func.func @transform_1(%arg0: i32) -> (i32, i32) {
    %c0_i32 = arith.constant 0 : i32
    %c0_i32_0 = arith.constant 0 : i32
    %c0_i32_1 = arith.constant 0 : i32
    return %c0_i32, %c0_i32_0 : i32, i32
  }
  func.func @transform_2(%arg0: i32) -> (i32, i32) {
    %c0_i32 = arith.constant 0 : i32
    %c0_i32_0 = arith.constant 0 : i32
    %c0_i32_1 = arith.constant 0 : i32
    return %c0_i32, %c0_i32_0 : i32, i32
  }
  func.func @transform_3(%arg0: i32) -> (i32, i32) {
    %c0_i32 = arith.constant 0 : i32
    %c0_i32_0 = arith.constant 0 : i32
    return %arg0, %c0_i32 : i32, i32
  }
}

module attributes {stable_mosaic.version = 14 : i64} {
  func.func @_k2t_body(%arg0: i32, %arg1: memref<2x1000x144xf32, #tpu.memory_space<vmem>>, %arg2: memref<1000x128xf32, #tpu.memory_space<vmem>>, %arg3: memref<128x128xf32, #tpu.memory_space<vmem>>, %arg4: memref<1000x128xf32, #tpu.memory_space<vmem>>, %arg5: memref<1000x128xf32, #tpu.memory_space<vmem>>) attributes {dimension_semantics = [#tpu.dimension_semantics<arbitrary>], iteration_bounds = array<i64: 10>, scalar_prefetch = 0 : i64, scratch_operands = 0 : i64, tpu.core_type = #tpu.core_type<tc>, window_params = [{transform_indices = @transform_0, window_bounds = array<i64: 2, 1000, 144>}, {transform_indices = @transform_1, window_bounds = array<i64: 1000, 128>}, {pipeline_mode = #tpu.pipeline_mode<synchronous>, transform_indices = @transform_2, window_bounds = array<i64: 128, 128>}, {transform_indices = @transform_3, window_bounds = array<i64: 1000, 128>}, {transform_indices = @transform_4, window_bounds = array<i64: 1000, 128>}]} {
    %get3A = arith.constant 0 : index
    %get3A_0 = arith.constant 0 : index
    %get3A_1 = arith.constant 0 : index
    %get3A_2 = vector.load %arg1[%get3A, %get3A_0, %get3A_1] : memref<2x1000x144xf32, #tpu.memory_space<vmem>>, vector<1x1000x144xf32>
    %get3A_3 = vector.shape_cast %get3A_2 : vector<1x1000x144xf32> to vector<1000x144xf32>
    %get3A_4 = arith.constant 1 : index
    %get3A_5 = arith.constant 0 : index
    %get3A_6 = arith.constant 0 : index
    %get3A_7 = vector.load %arg1[%get3A_4, %get3A_5, %get3A_6] : memref<2x1000x144xf32, #tpu.memory_space<vmem>>, vector<1x1000x144xf32>
    %get3A_8 = vector.shape_cast %get3A_7 : vector<1x1000x144xf32> to vector<1000x144xf32>
    %add3A = arith.addf %get3A_3, %get3A_8 : vector<1000x144xf32>
    %slice3A = vector.extract_strided_slice %add3A {offsets = [0, 128], sizes = [1000, 1], strides = [1, 1]} : vector<1000x144xf32> to vector<1000x1xf32>
    %jit3A = arith.constant 1.000000e+00 : f32
    %max3A = vector.broadcast %jit3A : f32 to vector<1000x1xf32>
    %max3A_9 = arith.maximumf %max3A, %slice3A : vector<1000x1xf32>
    %slice3A_10 = vector.extract_strided_slice %add3A {offsets = [0, 0], sizes = [1000, 128], strides = [1, 1]} : vector<1000x144xf32> to vector<1000x128xf32>
    %div3A = vector.broadcast %max3A_9 : vector<1000x1xf32> to vector<1000x128xf32>
    %div3A_11 = arith.divf %slice3A_10, %div3A : vector<1000x128xf32>
    %get3A_12 = arith.constant 0 : index
    %get3A_13 = arith.constant 0 : index
    %get3A_14 = vector.load %arg2[%get3A_12, %get3A_13] : memref<1000x128xf32, #tpu.memory_space<vmem>>, vector<1000x128xf32>
    %add3A_15 = arith.addf %div3A_11, %get3A_14 : vector<1000x128xf32>
    %max3A_16 = arith.constant 0.000000e+00 : f32
    %max3A_17 = vector.broadcast %max3A_16 : f32 to vector<1000x128xf32>
    %max3A_18 = arith.maximumf %add3A_15, %max3A_17 : vector<1000x128xf32>
    %swap3A = arith.constant 0 : index
    %swap3A_19 = arith.constant 0 : index
    %swap3A_20 = vector.load %arg5[%swap3A, %swap3A_19] : memref<1000x128xf32, #tpu.memory_space<vmem>>, vector<1000x128xf32>
    tpu.vector_store %arg5[%swap3A, %swap3A_19], %max3A_18 {strides = array<i32>} : memref<1000x128xf32, #tpu.memory_space<vmem>>, vector<1000x128xf32>,
    %get3A_21 = arith.constant 0 : index
    %get3A_22 = arith.constant 0 : index
    %get3A_23 = vector.load %arg3[%get3A_21, %get3A_22] : memref<128x128xf32, #tpu.memory_space<vmem>>, vector<128x128xf32>
    %dot_general3A = arith.constant dense<0.000000e+00> : vector<1000x128xf32>
    %dot_general3A_24 = tpu.matmul %max3A_18, %get3A_23, %dot_general3A {dimension_numbers = #tpu.dot_dimension_numbers<[1], [0], [0], [1], [0, 0, 1, 1], [], []>, transpose_lhs_hint = false} : vector<1000x128xf32>, vector<128x128xf32>, vector<1000x128xf32> -> vector<1000x128xf32>
    %swap3A_25 = arith.constant 0 : index
    %swap3A_26 = arith.constant 0 : index
    %swap3A_27 = vector.load %arg4[%swap3A_25, %swap3A_26] : memref<1000x128xf32, #tpu.memory_space<vmem>>, vector<1000x128xf32>
    tpu.vector_store %arg4[%swap3A_25, %swap3A_26], %dot_general3A_24 {strides = array<i32>} : memref<1000x128xf32, #tpu.memory_space<vmem>>, vector<1000x128xf32>,
    return
  }
  func.func @transform_0(%arg0: i32) -> (i32, i32, i32) {
    %c0_i32 = arith.constant 0 : i32
    %c0_i32_0 = arith.constant 0 : i32
    %c0_i32_1 = arith.constant 0 : i32
    return %c0_i32, %arg0, %c0_i32_0 : i32, i32, i32
  }
  func.func @transform_1(%arg0: i32) -> (i32, i32) {
    %c0_i32 = arith.constant 0 : i32
    %c0_i32_0 = arith.constant 0 : i32
    return %arg0, %c0_i32 : i32, i32
  }
  func.func @transform_2(%arg0: i32) -> (i32, i32) {
    %c0_i32 = arith.constant 0 : i32
    %c0_i32_0 = arith.constant 0 : i32
    %c0_i32_1 = arith.constant 0 : i32
    return %c0_i32, %c0_i32_0 : i32, i32
  }
  func.func @transform_3(%arg0: i32) -> (i32, i32) {
    %c0_i32 = arith.constant 0 : i32
    %c0_i32_0 = arith.constant 0 : i32
    return %arg0, %c0_i32 : i32, i32
  }
  func.func @transform_4(%arg0: i32) -> (i32, i32) {
    %c0_i32 = arith.constant 0 : i32
    %c0_i32_0 = arith.constant 0 : i32
    return %arg0, %c0_i32 : i32, i32
  }
}

module attributes {stable_mosaic.version = 14 : i64} {
  func.func @_k3_body(%arg0: i32, %arg1: memref<2x1000x128xf32, #tpu.memory_space<vmem>>, %arg2: memref<2x1000x144xf32, #tpu.memory_space<vmem>>, %arg3: memref<1000x128xf32, #tpu.memory_space<vmem>>, %arg4: memref<128x2048xbf16, #tpu.memory_space<vmem>>, %arg5: memref<1x2048xf32, #tpu.memory_space<vmem>>, %arg6: memref<1000x2048xf32, #tpu.memory_space<vmem>>) attributes {dimension_semantics = [#tpu.dimension_semantics<arbitrary>], iteration_bounds = array<i64: 10>, scalar_prefetch = 0 : i64, scratch_operands = 0 : i64, tpu.core_type = #tpu.core_type<tc>, window_params = [{transform_indices = @transform_0, window_bounds = array<i64: 2, 1000, 128>}, {transform_indices = @transform_1, window_bounds = array<i64: 2, 1000, 144>}, {transform_indices = @transform_2, window_bounds = array<i64: 1000, 128>}, {pipeline_mode = #tpu.pipeline_mode<synchronous>, transform_indices = @transform_3, window_bounds = array<i64: 128, 2048>}, {pipeline_mode = #tpu.pipeline_mode<synchronous>, transform_indices = @transform_4, window_bounds = array<i64: 1, 2048>}, {transform_indices = @transform_5, window_bounds = array<i64: 1000, 2048>}]} {
    %get3A = arith.constant 0 : index
    %get3A_0 = arith.constant 0 : index
    %get3A_1 = arith.constant 0 : index
    %get3A_2 = vector.load %arg1[%get3A, %get3A_0, %get3A_1] : memref<2x1000x128xf32, #tpu.memory_space<vmem>>, vector<1x1000x128xf32>
    %get3A_3 = vector.shape_cast %get3A_2 : vector<1x1000x128xf32> to vector<1000x128xf32>
    %get3A_4 = arith.constant 1 : index
    %get3A_5 = arith.constant 0 : index
    %get3A_6 = arith.constant 0 : index
    %get3A_7 = vector.load %arg1[%get3A_4, %get3A_5, %get3A_6] : memref<2x1000x128xf32, #tpu.memory_space<vmem>>, vector<1x1000x128xf32>
    %get3A_8 = vector.shape_cast %get3A_7 : vector<1x1000x128xf32> to vector<1000x128xf32>
    %add3A = arith.addf %get3A_3, %get3A_8 : vector<1000x128xf32>
    %get3A_9 = arith.constant 0 : index
    %get3A_10 = arith.constant 0 : index
    %get3A_11 = arith.constant 128 : index
    %get3A_12 = vector.load %arg2[%get3A_9, %get3A_10, %get3A_11] : memref<2x1000x144xf32, #tpu.memory_space<vmem>>, vector<1x1000x1xf32>
    %get3A_13 = vector.shape_cast %get3A_12 : vector<1x1000x1xf32> to vector<1000x1xf32>
    %get3A_14 = arith.constant 1 : index
    %get3A_15 = arith.constant 0 : index
    %get3A_16 = arith.constant 128 : index
    %get3A_17 = vector.load %arg2[%get3A_14, %get3A_15, %get3A_16] : memref<2x1000x144xf32, #tpu.memory_space<vmem>>, vector<1x1000x1xf32>
    %get3A_18 = vector.shape_cast %get3A_17 : vector<1x1000x1xf32> to vector<1000x1xf32>
    %add3A_19 = arith.addf %get3A_13, %get3A_18 : vector<1000x1xf32>
    %jit3A = arith.constant 1.000000e+00 : f32
    %max3A = vector.broadcast %jit3A : f32 to vector<1000x1xf32>
    %max3A_20 = arith.maximumf %max3A, %add3A_19 : vector<1000x1xf32>
    %div3A = vector.broadcast %max3A_20 : vector<1000x1xf32> to vector<1000x128xf32>
    %div3A_21 = arith.divf %add3A, %div3A : vector<1000x128xf32>
    %get3A_22 = arith.constant 0 : index
    %get3A_23 = arith.constant 0 : index
    %get3A_24 = vector.load %arg3[%get3A_22, %get3A_23] : memref<1000x128xf32, #tpu.memory_space<vmem>>, vector<1000x128xf32>
    %add3A_25 = arith.addf %div3A_21, %get3A_24 : vector<1000x128xf32>
    %max3A_26 = arith.constant 0.000000e+00 : f32
    %max3A_27 = vector.broadcast %max3A_26 : f32 to vector<1000x128xf32>
    %max3A_28 = arith.maximumf %add3A_25, %max3A_27 : vector<1000x128xf32>
    %convert_element_type3A = arith.truncf %max3A_28 : vector<1000x128xf32> to vector<1000x128xbf16>
    %get3A_29 = arith.constant 0 : index
    %get3A_30 = arith.constant 0 : index
    %get3A_31 = vector.load %arg4[%get3A_29, %get3A_30] : memref<128x2048xbf16, #tpu.memory_space<vmem>>, vector<128x2048xbf16>
    %dot_general3A = arith.constant dense<0.000000e+00> : vector<1000x2048xf32>
    %dot_general3A_32 = tpu.matmul %convert_element_type3A, %get3A_31, %dot_general3A {dimension_numbers = #tpu.dot_dimension_numbers<[1], [0], [0], [1], [0, 0, 1, 1], [], []>, transpose_lhs_hint = false} : vector<1000x128xbf16>, vector<128x2048xbf16>, vector<1000x2048xf32> -> vector<1000x2048xf32>
    %get3A_33 = arith.constant 0 : index
    %get3A_34 = arith.constant 0 : index
    %get3A_35 = vector.load %arg5[%get3A_33, %get3A_34] : memref<1x2048xf32, #tpu.memory_space<vmem>>, vector<1x2048xf32>
    %add3A_36 = vector.broadcast %get3A_35 : vector<1x2048xf32> to vector<1000x2048xf32>
    %add3A_37 = arith.addf %dot_general3A_32, %add3A_36 : vector<1000x2048xf32>
    %swap3A = arith.constant 0 : index
    %swap3A_38 = arith.constant 0 : index
    %swap3A_39 = vector.load %arg6[%swap3A, %swap3A_38] : memref<1000x2048xf32, #tpu.memory_space<vmem>>, vector<1000x2048xf32>
    tpu.vector_store %arg6[%swap3A, %swap3A_38], %add3A_37 {strides = array<i32>} : memref<1000x2048xf32, #tpu.memory_space<vmem>>, vector<1000x2048xf32>,
    return
  }
  func.func @transform_0(%arg0: i32) -> (i32, i32, i32) {
    %c0_i32 = arith.constant 0 : i32
    %c0_i32_0 = arith.constant 0 : i32
    %c0_i32_1 = arith.constant 0 : i32
    return %c0_i32, %arg0, %c0_i32_0 : i32, i32, i32
  }
  func.func @transform_1(%arg0: i32) -> (i32, i32, i32) {
    %c0_i32 = arith.constant 0 : i32
    %c0_i32_0 = arith.constant 0 : i32
    %c0_i32_1 = arith.constant 0 : i32
    return %c0_i32, %arg0, %c0_i32_0 : i32, i32, i32
  }
  func.func @transform_2(%arg0: i32) -> (i32, i32) {
    %c0_i32 = arith.constant 0 : i32
    %c0_i32_0 = arith.constant 0 : i32
    return %arg0, %c0_i32 : i32, i32
  }
  func.func @transform_3(%arg0: i32) -> (i32, i32) {
    %c0_i32 = arith.constant 0 : i32
    %c0_i32_0 = arith.constant 0 : i32
    %c0_i32_1 = arith.constant 0 : i32
    return %c0_i32, %c0_i32_0 : i32, i32
  }
  func.func @transform_4(%arg0: i32) -> (i32, i32) {
    %c0_i32 = arith.constant 0 : i32
    %c0_i32_0 = arith.constant 0 : i32
    %c0_i32_1 = arith.constant 0 : i32
    return %c0_i32, %c0_i32_0 : i32, i32
  }
  func.func @transform_5(%arg0: i32) -> (i32, i32) {
    %c0_i32 = arith.constant 0 : i32
    %c0_i32_0 = arith.constant 0 : i32
    return %arg0, %c0_i32 : i32, i32
  }
}

</mosaic_0001>

<sc_bundles>
// kernel: kernel.12.cloned.1.call-start
scs
__scs_entry_jumppad:
0x0: {  	(pc) =	sbr.rel $0x88, $3  }
0x1: {  	(tag) =	ssettag $0x0;
	lr =	simm.s32 $0x1  }
0x2: {  	[smem:$0x3F97] =	sst lr;
	_ =	strace $0xD0000000  }
0x3: {  	_ = 	snop  }
0x4: {  	_ = 	snop  }
0x5: {  	_ = 	snop  }
0x6: {  	_ = 	snop  }
0x7: {  	_ = 	snop  }
__scs_overlays_trampoline_lowered:
0x8: {  	[smem:$0x3FA6] =	sst s0  }
0x9: {  	[smem:$0x3FA7] =	sst s1  }
0xa: {  	[smem:$0x3FA8] =	sst s2  }
0xb: {  	[smem:$0x3FA9] =	sst s3  }
0xc: {  	[smem:$0x3FAA] =	sst s4  }
0xd: {  	[smem:$0x3FAB] =	sst s5  }
0xe: {  	[smem:$0x3FAC] =	sst s6  }
0xf: {  	[smem:$0x3FAD] =	sst s7  }
0x10: {  	[smem:$0x3FAE] =	sst s8  }
0x11: {  	[smem:$0x3FAF] =	sst s9;
	s0 =	simm.s32 @!p0 $0x0  }
0x12: {  	s1 =	sld [smem:$0x3F95];
	s0 =	simm.s32 @p0 $0x1  }
0x13: {  	[smem:$0x3FB0] =	sst s0;
	s0 =	simm.s32 @!p1 $0x0  }
0x14: {  	s2 =	sld [smem:$0x3F94];
	s0 =	simm.s32 @p1 $0x1  }
0x15: {  	[smem:$0x3FB1] =	sst s0;
	s0 =	simm.s32 @!p2 $0x0  }
0x16: {  	s3 =	sld [smem:$0x3FDB];
	s0 =	simm.s32 @p2 $0x1  }
0x17: {  	s4 =	simm.s32 $0x1BF5;
	[smem:$0x3FB3] =	sst s0  }
0x18: {  	s0 =	sld [smem:$0x3F96];
	_ =	swait.ge [sflag:s4], $0x0  }
0x19: {  	s7 =	sld [smem:$0x3F97]  }
0x1a: {  	s8 =	sadd.s32 $0xFFFFE003, lr  }
0x1b: {  	s9 =	sadd.s32 $0xFFFFFEF7, lr;
	s5 =	simm.s32 $0xFFFFFFFF;
	p2 =	slt.u32 s8, $0xFFFFF086  }
0x1c: {  	p1 =	slt.u32 s9, $0xF7A;
	s5 =	simm.s32 @!p2 $0x0  }
0x1d: {  	s5 =	simm.s32 @p1 $0x1;
	p0 =	seq.s32 s7, s2  }
0x1e: {  	s7 =	smul.u32 @!p0 $0xF7A, s2;
	p2 =	seq.s32 @!p0 s5, $0x0  }
0x1f: {  	s9 =	smul.u32 $0xF7A, s1;
	s8 =	simm.s32 @!p0 $0x1BF5;
	p2 =	por !p2, p0  }
0x20: {  	[sflag:s8] =	ssyncset.s32 @!p0 $0xFFFFF086;
	s6 =	sadd.s32 @!p0 s3, s7;
	s7 =	simm.s32 @!p0 $0x108  }
0x21: {  	s3 =	sadd.s32 s3, s9;
	s6 =	sadd.s32 @!p0 $0x88, s6;
	s7 =	simm.s32 @p2 $0x1082  }
0x22: {  	[simem:s7], [sflag:s8] =	dma.local @!p0 [hbm:s6], $0xF7A  }
0x23: {  	s9 =	sor.u32 $0xD0000000, s2;
	s6 =	simm.s32 $0x108;
	_ =	swait.ge @!p0 [sflag:s8], $0x0  }
0x24: {  	s3 =	sadd.s32 $0x88, s3;
	s6 =	simm.s32 @!p1 $0x1082;
	[sflag:s4] =	ssyncset.s32 $0xFFFFF086  }
0x25: {  	[simem:s6], [sflag:s4] =	dma.local [hbm:s3], $0xF7A  }
0x26: {  	[smem:$0x3F97] =	sst s1;
	(tag) =	ssettag s2;
	_ =	strace s9  }
0x27: {  	s1 =	sld [smem:$0x3FA7]  }
0x28: {  	s2 =	sld [smem:$0x3FA8]  }
0x29: {  	s4 =	sld [smem:$0x3FAA]  }
0x2a: {  	p0 =	seq.s32 s5, $0x0;
	s5 =	sld [smem:$0x3FAB]  }
0x2b: {  	s6 =	sld [smem:$0x3FAC]  }
0x2c: {  	s7 =	sld [smem:$0x3FAD]  }
0x2d: {  	s3 =	simm.s32 $0x108;
	s8 =	sld [smem:$0x3FAE]  }
0x2e: {  	s3 =	simm.s32 @!p0 $0x1082;
	s9 =	sld [smem:$0x3FAF]  }
0x2f: {  	lr =	sadd.s32 s0, s3;
	s0 =	sld [smem:$0x3FA6]  }
0x30: {  	s3 =	sld [smem:$0x3FA9]  }
0x31: {  	[smem:$0x3FB2] =	sst s10  }
0x32: {  	s10 =	sld [smem:$0x3FB0];
	_ =	sdelay $0x3  }
0x33: {  	p0 =	seq.s32 s10, $0x1;
	s10 =	sld [smem:$0x3FB2];
	_ =	sdelay $0x3  }
0x34: {  	[smem:$0x3FB2] =	sst s10  }
0x35: {  	s10 =	sld [smem:$0x3FB1];
	_ =	sdelay $0x3  }
0x36: {  	p1 =	seq.s32 s10, $0x1;
	s10 =	sld [smem:$0x3FB2];
	_ =	sdelay $0x3  }
0x37: {  	[smem:$0x3FB2] =	sst s10  }
0x38: {  	s10 =	sld [smem:$0x3FB3]  }
0x39: {  	_ = 	snop;
	(pc) =	sbr.ind lr, $3  }
0x3a: {  	_ = 	snop  }
0x3b: {  	_ = 	snop  }
0x3c: {  	p2 =	seq.s32 s10, $0x1;
	s10 =	sld [smem:$0x3FB2]  }
0x3d: {  	_ =	shalt  }
0x3e: {  	_ =	shalt  }
0x3f: {  	_ =	shalt  }
0x40: {  	_ =	shalt  }
0x41: {  	_ =	shalt  }
0x42: {  	_ =	shalt  }
0x43: {  	_ =	shalt  }
0x44: {  	_ =	shalt  }
0x45: {  	_ =	shalt  }
0x46: {  	_ =	shalt  }
0x47: {  	_ =	shalt  }
0x48: {  	_ =	shalt  }
0x49: {  	_ =	shalt  }
0x4a: {  	_ =	shalt  }
0x4b: {  	_ =	shalt  }
0x4c: {  	_ =	shalt  }
0x4d: {  	_ =	shalt  }
0x4e: {  	_ =	shalt  }
0x4f: {  	_ =	shalt  }
0x50: {  	_ =	shalt  }
0x51: {  	_ =	shalt  }
0x52: {  	_ =	shalt  }
0x53: {  	_ =	shalt  }
0x54: {  	_ =	shalt  }
0x55: {  	_ =	shalt  }
0x56: {  	_ =	shalt  }
0x57: {  	_ =	shalt  }
0x58: {  	_ =	shalt  }
0x59: {  	_ =	shalt  }
0x5a: {  	_ =	shalt  }
0x5b: {  	_ =	shalt  }
0x5c: {  	_ =	shalt  }
0x5d: {  	_ =	shalt  }
0x5e: {  	_ =	shalt  }
0x5f: {  	_ =	shalt  }
0x60: {  	_ =	shalt  }
0x61: {  	_ =	shalt  }
0x62: {  	_ =	shalt  }
0x63: {  	_ =	shalt  }
0x64: {  	_ =	shalt  }
0x65: {  	_ =	shalt  }
0x66: {  	_ =	shalt  }
0x67: {  	_ =	shalt  }
0x68: {  	_ =	shalt  }
0x69: {  	_ =	shalt  }
0x6a: {  	_ =	shalt  }
0x6b: {  	_ =	shalt  }
0x6c: {  	_ =	shalt  }
0x6d: {  	_ =	shalt  }
0x6e: {  	_ =	shalt  }
0x6f: {  	_ =	shalt  }
0x70: {  	_ =	shalt  }
0x71: {  	_ =	shalt  }
0x72: {  	_ =	shalt  }
0x73: {  	_ =	shalt  }
0x74: {  	_ =	shalt  }
0x75: {  	_ =	shalt  }
0x76: {  	_ =	shalt  }
0x77: {  	_ =	shalt  }
0x78: {  	_ =	shalt  }
0x79: {  	_ =	shalt  }
0x7a: {  	_ =	shalt  }
0x7b: {  	_ =	shalt  }
0x7c: {  	_ =	shalt  }
0x7d: {  	_ =	shalt  }
0x7e: {  	_ =	shalt  }
0x7f: {  	_ =	shalt  }
0x80: {  	_ =	shalt  }
0x81: {  	_ =	shalt  }
0x82: {  	_ =	shalt  }
0x83: {  	_ =	shalt  }
0x84: {  	_ =	shalt  }
0x85: {  	_ =	shalt  }
0x86: {  	_ =	shalt  }
0x87: {  	_ =	shalt  }
.Lfunc_end0:
.L_simem_size_0:
called_computation.1_lowered:
.L_overlay_start_0:
0x88: {  	s2 =	sld [smem:$0x3FD9]  }
0x89: {  	s3 =	sld [smem:$0x3FFE];
	_ =	sdelay $0x1  }
0x8a: {  	s1 =	srdreg.scid  }
0x8b: {  	s0 =	sand.u32 $0x1, s1  }
0x8c: {  	s17 =	sshll.u32 s0, $0xA;
	s2 =	sadd.s32 s3, s2  }
0x8d: {  	s2 =	sadd.s32 s2, s17  }
0x8e: {  	[smem:$0x3FBE] =	sst s2  }
0x8f: {  	_ = 	snop  }
0x90: {  	s2 =	sld [smem:$0x3FD0];
	(tm) =	ssettm $0x1  }
0x91: {  	s18 =	sld [smem:$0x3FFB];
	_ =	sdelay $0x3  }
0x92: {  	_ =	strace s18  }
0x93: {  	s3 =	sld [smem:$0x3FFC];
	_ =	sdelay $0x3  }
0x94: {  	_ =	strace s3  }
0x95: {  	s3 =	sld [smem:$0x3FFD];
	_ =	sdelay $0x3  }
0x96: {  	_ =	strace s3  }
0x97: {  	_ =	strace $0x8FFFFFFF  }
0x98: {  	s19 =	sld [smem:$0x3FDB];
	_ =	sdelay $0x1  }
0x99: {  	s4 =	simm.s32 $_scs_section_size  }
0x9a: {  	s5 =	simm.s32 $_size__tile_overlayer_lowered;
	s6 =	simm.s32 $_tile_overlayer_lowered  }
0x9b: {  	s22 =	simm.s32 $0x1BFF;
	s21 =	sshll.u32 s6, $0x1;
	s3 =	sadd.s32 s4, s19  }
0x9c: {  	s7 =	simm.s32 $0x0;
	s20 =	sshll.u32 s5, $0x1;
	s5 =	sadd.s32 s21, s3  }
0x9d: {  	[timem:s7], [sflag:s22] =	dma.local [hbm:s5], s20  }
0x9e: {  	_ =	swait.ge [sflag:s22], s20  }
0x9f: {  	s4 =	ssub.s32 $0x0, s20;
	[sflag:s22] =	ssyncset.done $0x0  }
0xa0: {  	[sflag:s22] =	ssyncadd.s32 s4;
	_ =	sdelay $0x1  }
0xa1: {  	s23 =	simm.s32 $0x1B8B  }
0xa2: {  	_ =	swait.ge [sflag:s23], $0x1  }
0xa3: {  	[sflag:s23] =	ssyncset.done $0x0  }
0xa4: {  	s25 =	simm.s32 $0x1B8E;
	s24 =	sld [smem:$0x3FFE];
	[sflag:s23] =	ssyncadd.s32 $0xFFFFFFFF  }
0xa5: {  	s26 =	simm.s32 $execute0_lowered;
	[smem:$0x3FD2] =	sst s25  }
0xa6: {  	s5 =	sshll.u32 s26, $0x1;
	_ =	strace $0x80000049;
	[dreg:$0x1] =	wrdreg $0xFFFFFFFF  }
0xa7: {  	s28 =	simm.s32 $_size_execute0_lowered;
	s3 =	sadd.s32 s3, s5;
	[dreg:$0x0] =	wrdreg $0x0  }
0xa8: {  	s5 =	sshll.u32 s28, $0x1;
	[dreg:$0x2] =	wrdreg s3  }
0xa9: {  	[dreg:$0x3] =	wrdreg s5  }
0xaa: {  	[dreg:$0x4] =	wrdreg $0xC0  }
0xab: {  	_ =	task [dreg:s7], $0x5FFFF  }
0xac: {  	[dreg:$0x1] =	wrdreg $0xFFFFFFFF  }
0xad: {  	[dreg:$0x0] =	wrdreg $0x60  }
0xae: {  	[dreg:$0x2] =	wrdreg s24  }
0xaf: {  	[dreg:$0x3] =	wrdreg s2  }
0xb0: {  	[dreg:$0x4] =	wrdreg $0x88000  }
0xb1: {  	[dreg:$0x5] =	wrdreg $0x9  }
0xb2: {  	_ =	task.clear_ibuf [dreg:s7], $0x6FFFF;
	_ =	strace $0x90000049  }
0xb3: {  	s29 =	simm.s32 $0x9;
	_ =	strace $0x8000004B  }
0xb4: {  	_ =	swait.ge [sflag:s29], $0x1  }
0xb5: {  	[sflag:s29] =	ssyncadd.s32 $0xFFFFFFFF  }
0xb6: {  	_ =	strace $0x9000004B  }
0xb7: {  	_ =	sfence  }
0xb8: {  	s30 =	sld [smem:$0x0];
	_ =	sdelay $0x2  }
0xb9: {  	s31 =	sshll.u32 s1, $0xD;
	s1 =	sshrl.u32 s1, $0x2  }
0xba: {  	s3 =	sand.u32 $0x4000, s31;
	s1 =	sadd.s32 s1, s30  }
0xbb: {  	s0 =	sor.u32 s3, s0;
	s1 =	sshll.u32 s1, $0x11  }
0xbc: {  	s0 =	sor.u32 s1, s0  }
0xbd: {  	s0 =	sadd.s32 $0x8F2B, s0  }
0xbe: {  	[sflag:s0] =	ssyncadd.remote.s32 $0x1  }
0xbf: {  	_ =	sfence.sel $0xFFFF  }
0xc0: {  	[dreg:$0x0] =	wrdreg $0xFFFFFFFF;
	(pc) =	sbr.abs _section_cstart, $3  }
0xc1: {  	[dreg:$0x1] =	wrdreg $0xFFFFFFFF  }
0xc2: {  	_ =	task.clear_ibuf [dreg:s7], $0x2FFFF;
	_ =	strace $0x9FFFFFFF  }
0xc3: {  	(tm) =	ssettm $0x7FFFFFFF  }
tec
execute0_lowered:
.L_overlay_start_1:
0x0: {  	(tag) =	ssettag $0x1  }
0x1: {  	s0 =	rddreg [dreg:$0x0]  }
0x2: {  	s3 =	rddreg [dreg:$0x1]  }
0x3: {  	s1 =	rddreg [dreg:$0x2];
	s2 =	simm.s32 $0x0  }
0x4: {  	s5 =	srdreg.scid;
	s13 =	stileid.u32;
	s22 =	simm.s32 $0x280  }
0x5: {  	s23 =	simm.s32 $0x100;
	s24 =	simm.s32 $0x300;
	s25 =	simm.s32 $0x180  }
0x6: {  	s26 =	simm.s32 $0x380;
	s28 =	simm.s32 $0x500;
	s29 =	simm.s32 $0x700  }
0x7: {  	s30 =	simm.s32 $0x580;
	s31 =	simm.s32 $0x780;
	[smem:$0x7FF] =	sst s2  }
0x8: {  	s4 =	sadd.s32 $0x2A00, s0;
	s5 =	sand.u32 $0x1, s5;
	s9 =	sadd.s32 $0x45800, s0  }
0x9: {  	s8 =	smul.u32 $0x4F000, s13;
	s0 =	sadd.s32 $0x29C00, s0;
	s17 =	sshll.u32 s13, $0x6  }
0xa: {  	s11 =	smul.u32 $0x13C00, s13;
	_ =	strace $0x8000004A;
	[dreg:$0x9] =	wrdreg s0  }
0xb: {  	s20 =	smul.u32 $0x500, s13;
	s6 =	sshll.u32 s5, $0x4;
	[dreg:$0x4] =	wrdreg s22  }
0xc: {  	s7 =	ssub.s32 $0x2, s5;
	s16 =	smul.u32 $0x13C000, s5;
	[dreg:$0x5] =	wrdreg s23  }
0xd: {  	s5 =	smul.u32 $0x5000, s5;
	s22 =	simm.s32 $0x2;
	[dreg:$0x6] =	wrdreg s24  }
0xe: {  	s23 =	simm.s32 $0x3;
	[dreg:$0x7] =	wrdreg s25;
	s24 =	simm.s32 $0x5  }
0xf: {  	[dreg:$0x8] =	wrdreg s26;
	s25 =	simm.s32 $0x480;
	s26 =	simm.s32 $0x680  }
0x10: {  	s6 =	sor.u32 s13, s6;
	s14 =	sshrl.u32 s7, $0x1;
	s15 =	sshrl.u32 s8, $0x2  }
0x11: {  	s13 =	simm.s32 $0x6;
	s10 =	smul.u32 $0x2800, s6;
	s0 =	ssub.s32 s7, s14  }
0x12: {  	s12 =	sadd.s32 s15, s1;
	s6 =	sor.u32 $0x1C06, s17;
	s19 =	sadd.s32 s11, s16  }
0x13: {  	s5 =	sadd.s32 s5, s9;
	s14 =	simm.s32 $0x200;
	s15 =	simm.s32 $0x4  }
0x14: {  	s16 =	simm.s32 $0x80;
	s17 =	simm.s32 $0x800;
	s0 =	smax.u32 s0, $0x1  }
0x15: {  	s11 =	sadd.s32 s20, s5;
	s12 =	sshrl.u32 s12, $0x3;
	s20 =	simm.s32 $0x600  }
0x16: {  	s18 =	sshrl.u32 s10, $0x3;
	s10 =	sshrl.u32 s19, $0x3;
	[dreg:$0xc] =	wrdreg s0  }
0x17: {  	s19 =	simm.s32 $0x400;
	s7 =	sadd.s32 s9, s18;
	s3 =	sadd.s32 s3, s10  }
0x18: {  	s0 =	simm.s32 $0x0;
	s21 =	sadd.s32 $0xA000, s7;
	[dreg:$0xb] =	wrdreg s3  }
0x19: {  	s18 =	simm.s32 $0x4800;
	[dreg:$0xa] =	wrdreg s21;
	s21 =	simm.s32 $0x1  }
.LBB2_1:
0x1a: {  	s3 =	rddreg [dreg:$0x9]  }
0x1b: {  	[spmem:s12], [sflag:s6] =	dma.local [hbm:s3], $0x2780  }
0x1c: {  	_ =	swait.ge [sflag:s13], $0x2780  }
0x1d: {  	[sflag:s13] =	ssyncset.done $0x0  }
0x1e: {  	[sflag:s13] =	ssyncadd.s32 $0xFFFFD880  }
0x1f: {  	[tilespmem:s2], [sflag:$0x4] =	stream.linear.gather [hbm4b:s7+s2], $0x200, $0x38;
	[tilespmem:$0x1C400] =	vst v63  }
0x20: {  	s5 =	rddreg [dreg:$0xa]  }
0x21: {  	[tilespmem:s14], [sflag:$0x4] =	stream.linear.gather [hbm4b:s5+s2], $0x200, $0x38;
	[tilespmem:$0x1C400] =	vst v63  }
0x22: {  	[bflag:$0x0] =	sbarrier.arrive $0xFFFF  }
0x23: {  	_ =	swait.ge [sflag:s15], $0x200  }
0x24: {  	[sflag:s15] =	ssyncset.done $0x0  }
0x25: {  	[sflag:s15] =	ssyncadd.s32 $0xFFFFFE00  }
0x26: {  	_ =	swait.ge [sflag:s15], $0x200  }
0x27: {  	p0 =	por $0x1, $0x1;
	[sflag:s15] =	ssyncset.done $0x0  }
0x28: {  	s3 =	simm.s32 @!p0 $0x3;
	[sflag:s15] =	ssyncadd.s32 $0xFFFFFE00  }
0x29: {  	_ =	swait.ge @!p0 [sflag:s3], $0x4000  }
0x2a: {  	[sflag:s3] =	ssyncset.done @!p0 $0x0  }
0x2b: {  	[sflag:s3] =	ssyncadd.s32 @!p0 $0xFFFFC000  }
0x2c: {  	[tilespmem:s17], [sflag:$0x1] =	stream.indirect.gather [hbm4b:s4+s16], $0x80, s2, s16, $0xb8;
	[tilespmem:$0x1C400] =	vst v63  }
0x2d: {  	s8 =	sadd.s32 $0x0, s11  }
0x2e: {  	[tilespmem:s18], [sflag:$0x2] =	stream.indirect.gather [hbm4b:s4+s16], $0x80, s16, s16, $0xb8;
	[tilespmem:$0x1C400] =	vst v63  }
0x2f: {  	s5 =	sadd.s32 $0x40, s8  }
0x30: {  	[tilespmem:s19], [sflag:$0x5] =	stream.linear.gather [hbm4b:s5+s2], $0x200, $0x38;
	[tilespmem:$0x1C400] =	vst v63  }
0x31: {  	s3 =	sadd.s32 $0xA040, s8  }
0x32: {  	[tilespmem:s20], [sflag:$0x5] =	stream.linear.gather [hbm4b:s3+s2], $0x200, $0x38;
	[tilespmem:$0x1C400] =	vst v63  }
0x33: {  	_ =	swait.ge [sflag:s21], $0x4000  }
0x34: {  	[sflag:s21] =	ssyncset.done $0x0  }
0x35: {  	[sflag:s21] =	ssyncadd.s32 $0xFFFFC000  }
0x36: {  	[spmem:s1] =	stream.indirect.scatter.add.f32 [tilespmem:s17], [sflag:$0x3], $0x80, s14, s16, $0xb8;
	[tilespmem:$0x1C400] =	vst v63  }
0x37: {  	_ =	swait.ge [sflag:s22], $0x4000  }
0x38: {  	[sflag:s22] =	ssyncset.done $0x0  }
0x39: {  	[sflag:s22] =	ssyncadd.s32 $0xFFFFC000  }
0x3a: {  	_ =	swait.ge [sflag:s23], $0x4000  }
0x3b: {  	[sflag:s23] =	ssyncset.done $0x0  }
0x3c: {  	s9 =	rddreg [dreg:$0x4];
	[sflag:s23] =	ssyncadd.s32 $0xFFFFC000  }
0x3d: {  	[spmem:s1] =	stream.indirect.scatter.add.f32 [tilespmem:s18], [sflag:$0x3], $0x80, s9, s16, $0xb8;
	[tilespmem:$0x1C400] =	vst v63  }
0x3e: {  	s10 =	rddreg [dreg:$0x5]  }
0x3f: {  	[tilespmem:s17], [sflag:$0x1] =	stream.indirect.gather [hbm4b:s4+s16], $0x80, s10, s16, $0xb8;
	[tilespmem:$0x1C400] =	vst v63  }
0x40: {  	_ =	swait.ge [sflag:s21], $0x4000  }
0x41: {  	[sflag:s21] =	ssyncset.done $0x0  }
0x42: {  	[sflag:s21] =	ssyncadd.s32 $0xFFFFC000  }
0x43: {  	_ =	swait.ge [sflag:s23], $0x4000  }
0x44: {  	[sflag:s23] =	ssyncset.done $0x0  }
0x45: {  	s8 =	rddreg [dreg:$0x6];
	[sflag:s23] =	ssyncadd.s32 $0xFFFFC000  }
0x46: {  	[spmem:s1] =	stream.indirect.scatter.add.f32 [tilespmem:s17], [sflag:$0x3], $0x80, s8, s16, $0xb8;
	[tilespmem:$0x1C400] =	vst v63  }
0x47: {  	s9 =	rddreg [dreg:$0x7]  }
0x48: {  	[tilespmem:s18], [sflag:$0x2] =	stream.indirect.gather [hbm4b:s4+s16], $0x80, s9, s16, $0xb8;
	[tilespmem:$0x1C400] =	vst v63  }
0x49: {  	_ =	swait.ge [sflag:s24], $0x200  }
0x4a: {  	[sflag:s24] =	ssyncset.done $0x0  }
0x4b: {  	[sflag:s24] =	ssyncadd.s32 $0xFFFFFE00  }
0x4c: {  	_ =	swait.ge [sflag:s24], $0x200  }
0x4d: {  	[sflag:s24] =	ssyncset.done $0x0  }
0x4e: {  	[sflag:s24] =	ssyncadd.s32 $0xFFFFFE00  }
0x4f: {  	_ =	swait.ge [sflag:s22], $0x4000  }
0x50: {  	[sflag:s22] =	ssyncset.done $0x0  }
0x51: {  	[sflag:s22] =	ssyncadd.s32 $0xFFFFC000  }
0x52: {  	_ =	swait.ge [sflag:s23], $0x4000  }
0x53: {  	[sflag:s23] =	ssyncset.done $0x0  }
0x54: {  	s10 =	rddreg [dreg:$0x8];
	[sflag:s23] =	ssyncadd.s32 $0xFFFFC000  }
0x55: {  	[spmem:s1] =	stream.indirect.scatter.add.f32 [tilespmem:s18], [sflag:$0x3], $0x80, s10, s16, $0xb8;
	[tilespmem:$0x1C400] =	vst v63  }
0x56: {  	_ = 	snop  }
0x57: {  	[tilespmem:s17], [sflag:$0x1] =	stream.indirect.gather [hbm4b:s4+s16], $0x80, s19, s16, $0xb8;
	[tilespmem:$0x1C400] =	vst v63  }
0x58: {  	_ =	swait.ge [sflag:s21], $0x4000  }
0x59: {  	[sflag:s21] =	ssyncset.done $0x0  }
0x5a: {  	[sflag:s21] =	ssyncadd.s32 $0xFFFFC000  }
0x5b: {  	_ =	swait.ge [sflag:s23], $0x4000  }
0x5c: {  	[sflag:s23] =	ssyncset.done $0x0  }
0x5d: {  	p0 =	por $0x0, $0x0;
	[sflag:s23] =	ssyncadd.s32 $0xFFFFC000  }
0x5e: {  	[spmem:s1] =	stream.indirect.scatter.add.f32 [tilespmem:s17], [sflag:$0x3], $0x80, s20, s16, $0xb8;
	[tilespmem:$0x1C400] =	vst v63  }
0x5f: {  	s3 =	sadd.s32 @!p0 $0x0, s11  }
0x60: {  	[tilespmem:s18], [sflag:$0x2] =	stream.indirect.gather [hbm4b:s4+s16], $0x80, s25, s16, $0xb8;
	[tilespmem:$0x1C400] =	vst v63  }
0x61: {  	s5 =	simm.s32 @!p0 $0x0;
	s8 =	sadd.s32 @!p0 $0x80, s3  }
0x62: {  	[tilespmem:s5], [sflag:$0x4] =	stream.linear.gather @!p0 [hbm4b:s8+s5], $0x200, $0x38;
	[tilespmem:$0x1C400] =	vst v63  }
0x63: {  	s3 =	sadd.s32 @!p0 $0xA080, s3;
	s8 =	simm.s32 @!p0 $0x200  }
0x64: {  	[tilespmem:s8], [sflag:$0x4] =	stream.linear.gather @!p0 [hbm4b:s3+s5], $0x200, $0x38;
	[tilespmem:$0x1C400] =	vst v63  }
0x65: {  	_ =	swait.ge [sflag:s22], $0x4000  }
0x66: {  	[sflag:s22] =	ssyncset.done $0x0  }
0x67: {  	[sflag:s22] =	ssyncadd.s32 $0xFFFFC000  }
0x68: {  	_ =	swait.ge [sflag:s23], $0x4000  }
0x69: {  	[sflag:s23] =	ssyncset.done $0x0  }
0x6a: {  	[sflag:s23] =	ssyncadd.s32 $0xFFFFC000  }
0x6b: {  	[spmem:s1] =	stream.indirect.scatter.add.f32 [tilespmem:s18], [sflag:$0x3], $0x80, s26, s16, $0xb8;
	[tilespmem:$0x1C400] =	vst v63  }
0x6c: {  	_ = 	snop  }
0x6d: {  	[tilespmem:s17], [sflag:$0x1] =	stream.indirect.gather [hbm4b:s4+s16], $0x80, s28, s16, $0xb8;
	[tilespmem:$0x1C400] =	vst v63  }
0x6e: {  	_ =	swait.ge [sflag:s21], $0x4000  }
0x6f: {  	[sflag:s21] =	ssyncset.done $0x0  }
0x70: {  	[sflag:s21] =	ssyncadd.s32 $0xFFFFC000  }
0x71: {  	_ =	swait.ge [sflag:s23], $0x4000  }
0x72: {  	[sflag:s23] =	ssyncset.done $0x0  }
0x73: {  	[sflag:s23] =	ssyncadd.s32 $0xFFFFC000  }
0x74: {  	[spmem:s1] =	stream.indirect.scatter.add.f32 [tilespmem:s17], [sflag:$0x3], $0x80, s29, s16, $0xb8;
	[tilespmem:$0x1C400] =	vst v63  }
0x75: {  	_ = 	snop  }
0x76: {  	[tilespmem:s18], [sflag:$0x2] =	stream.indirect.gather [hbm4b:s4+s16], $0x80, s30, s16, $0xb8;
	[tilespmem:$0x1C400] =	vst v63  }
0x77: {  	_ =	swait.ge [sflag:s22], $0x4000  }
0x78: {  	[sflag:s22] =	ssyncset.done $0x0  }
0x79: {  	[sflag:s22] =	ssyncadd.s32 $0xFFFFC000  }
0x7a: {  	_ =	swait.ge [sflag:s23], $0x4000  }
0x7b: {  	s3 =	simm.s32 $0x80;
	[sflag:s23] =	ssyncset.done $0x0  }
.LBB2_2:
0x7c: {  	[sflag:s23] =	ssyncadd.s32 $0xFFFFC000  }
0x7d: {  	[spmem:s1] =	stream.indirect.scatter.add.f32 [tilespmem:s18], [sflag:$0x3], $0x80, s31, s16, $0xb8;
	[tilespmem:$0x1C400] =	vst v63  }
0x7e: {  	_ =	swait.ge [sflag:s15], $0x200  }
0x7f: {  	[sflag:s15] =	ssyncset.done $0x0  }
0x80: {  	[sflag:s15] =	ssyncadd.s32 $0xFFFFFE00  }
0x81: {  	s5 =	smov.u32 s3;
	_ =	swait.ge [sflag:s15], $0x200  }
0x82: {  	p1 =	seq.s32 s5, $0x0;
	[sflag:s15] =	ssyncset.done $0x0  }
0x83: {  	s8 =	simm.s32 @!p1 $0x3;
	[sflag:s15] =	ssyncadd.s32 $0xFFFFFE00  }
0x84: {  	_ =	swait.ge @!p1 [sflag:s8], $0x4000  }
0x85: {  	[sflag:s8] =	ssyncset.done @!p1 $0x0  }
0x86: {  	[sflag:s8] =	ssyncadd.s32 @!p1 $0xFFFFC000  }
0x87: {  	[tilespmem:s17], [sflag:$0x1] =	stream.indirect.gather [hbm4b:s4+s16], $0x80, s2, s16, $0xb8;
	[tilespmem:$0x1C400] =	vst v63  }
0x88: {  	s10 =	sadd.s32 s5, s11  }
0x89: {  	[tilespmem:s18], [sflag:$0x2] =	stream.indirect.gather [hbm4b:s4+s16], $0x80, s16, s16, $0xb8;
	[tilespmem:$0x1C400] =	vst v63  }
0x8a: {  	s9 =	sadd.s32 $0x40, s10  }
0x8b: {  	[tilespmem:s19], [sflag:$0x5] =	stream.linear.gather [hbm4b:s9+s2], $0x200, $0x38;
	[tilespmem:$0x1C400] =	vst v63  }
0x8c: {  	s8 =	sadd.s32 $0xA040, s10  }
0x8d: {  	[tilespmem:s20], [sflag:$0x5] =	stream.linear.gather [hbm4b:s8+s2], $0x200, $0x38;
	[tilespmem:$0x1C400] =	vst v63  }
0x8e: {  	_ =	swait.ge [sflag:s21], $0x4000  }
0x8f: {  	[sflag:s21] =	ssyncset.done $0x0  }
0x90: {  	[sflag:s21] =	ssyncadd.s32 $0xFFFFC000  }
0x91: {  	[spmem:s1] =	stream.indirect.scatter.add.f32 [tilespmem:s17], [sflag:$0x3], $0x80, s14, s16, $0xb8;
	[tilespmem:$0x1C400] =	vst v63  }
0x92: {  	_ =	swait.ge [sflag:s22], $0x4000  }
0x93: {  	[sflag:s22] =	ssyncset.done $0x0  }
0x94: {  	[sflag:s22] =	ssyncadd.s32 $0xFFFFC000  }
0x95: {  	_ =	swait.ge [sflag:s23], $0x4000  }
0x96: {  	[sflag:s23] =	ssyncset.done $0x0  }
0x97: {  	s9 =	rddreg [dreg:$0x4];
	[sflag:s23] =	ssyncadd.s32 $0xFFFFC000  }
0x98: {  	[spmem:s1] =	stream.indirect.scatter.add.f32 [tilespmem:s18], [sflag:$0x3], $0x80, s9, s16, $0xb8;
	[tilespmem:$0x1C400] =	vst v63  }
0x99: {  	s10 =	rddreg [dreg:$0x5]  }
0x9a: {  	[tilespmem:s17], [sflag:$0x1] =	stream.indirect.gather [hbm4b:s4+s16], $0x80, s10, s16, $0xb8;
	[tilespmem:$0x1C400] =	vst v63  }
0x9b: {  	_ =	swait.ge [sflag:s21], $0x4000  }
0x9c: {  	[sflag:s21] =	ssyncset.done $0x0  }
0x9d: {  	[sflag:s21] =	ssyncadd.s32 $0xFFFFC000  }
0x9e: {  	_ =	swait.ge [sflag:s23], $0x4000  }
0x9f: {  	[sflag:s23] =	ssyncset.done $0x0  }
0xa0: {  	s9 =	rddreg [dreg:$0x6];
	[sflag:s23] =	ssyncadd.s32 $0xFFFFC000  }
0xa1: {  	[spmem:s1] =	stream.indirect.scatter.add.f32 [tilespmem:s17], [sflag:$0x3], $0x80, s9, s16, $0xb8;
	[tilespmem:$0x1C400] =	vst v63  }
0xa2: {  	s10 =	rddreg [dreg:$0x7]  }
0xa3: {  	[tilespmem:s18], [sflag:$0x2] =	stream.indirect.gather [hbm4b:s4+s16], $0x80, s10, s16, $0xb8;
	[tilespmem:$0x1C400] =	vst v63  }
0xa4: {  	_ =	swait.ge [sflag:s24], $0x200  }
0xa5: {  	[sflag:s24] =	ssyncset.done $0x0  }
0xa6: {  	[sflag:s24] =	ssyncadd.s32 $0xFFFFFE00  }
0xa7: {  	_ =	swait.ge [sflag:s24], $0x200  }
0xa8: {  	[sflag:s24] =	ssyncset.done $0x0  }
0xa9: {  	[sflag:s24] =	ssyncadd.s32 $0xFFFFFE00  }
0xaa: {  	_ =	swait.ge [sflag:s22], $0x4000  }
0xab: {  	[sflag:s22] =	ssyncset.done $0x0  }
0xac: {  	[sflag:s22] =	ssyncadd.s32 $0xFFFFC000  }
0xad: {  	_ =	swait.ge [sflag:s23], $0x4000  }
0xae: {  	[sflag:s23] =	ssyncset.done $0x0  }
0xaf: {  	s10 =	rddreg [dreg:$0x8];
	[sflag:s23] =	ssyncadd.s32 $0xFFFFC000  }
0xb0: {  	[spmem:s1] =	stream.indirect.scatter.add.f32 [tilespmem:s18], [sflag:$0x3], $0x80, s10, s16, $0xb8;
	[tilespmem:$0x1C400] =	vst v63  }
0xb1: {  	_ = 	snop  }
0xb2: {  	[tilespmem:s17], [sflag:$0x1] =	stream.indirect.gather [hbm4b:s4+s16], $0x80, s19, s16, $0xb8;
	[tilespmem:$0x1C400] =	vst v63  }
0xb3: {  	_ =	swait.ge [sflag:s21], $0x4000  }
0xb4: {  	[sflag:s21] =	ssyncset.done $0x0  }
0xb5: {  	[sflag:s21] =	ssyncadd.s32 $0xFFFFC000  }
0xb6: {  	_ =	swait.ge [sflag:s23], $0x4000  }
0xb7: {  	[sflag:s23] =	ssyncset.done $0x0  }
0xb8: {  	p1 =	seq.s32 s5, $0x480;
	[sflag:s23] =	ssyncadd.s32 $0xFFFFC000  }
0xb9: {  	[spmem:s1] =	stream.indirect.scatter.add.f32 [tilespmem:s17], [sflag:$0x3], $0x80, s20, s16, $0xb8;
	[tilespmem:$0x1C400] =	vst v63  }
0xba: {  	s5 =	sadd.s32 @!p1 s5, s11  }
0xbb: {  	[tilespmem:s18], [sflag:$0x2] =	stream.indirect.gather [hbm4b:s4+s16], $0x80, s25, s16, $0xb8;
	[tilespmem:$0x1C400] =	vst v63  }
0xbc: {  	s8 =	simm.s32 @!p1 $0x0;
	s9 =	sadd.s32 @!p1 $0x80, s5  }
0xbd: {  	[tilespmem:s8], [sflag:$0x4] =	stream.linear.gather @!p1 [hbm4b:s9+s8], $0x200, $0x38;
	[tilespmem:$0x1C400] =	vst v63  }
0xbe: {  	s5 =	sadd.s32 @!p1 $0xA080, s5;
	s10 =	simm.s32 @!p1 $0x200  }
0xbf: {  	[tilespmem:s10], [sflag:$0x4] =	stream.linear.gather @!p1 [hbm4b:s5+s8], $0x200, $0x38;
	[tilespmem:$0x1C400] =	vst v63  }
0xc0: {  	_ =	swait.ge [sflag:s22], $0x4000  }
0xc1: {  	[sflag:s22] =	ssyncset.done $0x0  }
0xc2: {  	[sflag:s22] =	ssyncadd.s32 $0xFFFFC000  }
0xc3: {  	_ =	swait.ge [sflag:s23], $0x4000  }
0xc4: {  	[sflag:s23] =	ssyncset.done $0x0  }
0xc5: {  	[sflag:s23] =	ssyncadd.s32 $0xFFFFC000  }
0xc6: {  	[spmem:s1] =	stream.indirect.scatter.add.f32 [tilespmem:s18], [sflag:$0x3], $0x80, s26, s16, $0xb8;
	[tilespmem:$0x1C400] =	vst v63  }
0xc7: {  	_ = 	snop  }
0xc8: {  	[tilespmem:s17], [sflag:$0x1] =	stream.indirect.gather [hbm4b:s4+s16], $0x80, s28, s16, $0xb8;
	[tilespmem:$0x1C400] =	vst v63  }
0xc9: {  	_ =	swait.ge [sflag:s21], $0x4000  }
0xca: {  	[sflag:s21] =	ssyncset.done $0x0  }
0xcb: {  	[sflag:s21] =	ssyncadd.s32 $0xFFFFC000  }
0xcc: {  	_ =	swait.ge [sflag:s23], $0x4000  }
0xcd: {  	[sflag:s23] =	ssyncset.done $0x0  }
0xce: {  	s3 =	sadd.s32 $0x80, s3;
	[sflag:s23] =	ssyncadd.s32 $0xFFFFC000  }
0xcf: {  	[spmem:s1] =	stream.indirect.scatter.add.f32 [tilespmem:s17], [sflag:$0x3], $0x80, s29, s16, $0xb8;
	[tilespmem:$0x1C400] =	vst v63  }
0xd0: {  	p0 =	sne.s32 s3, $0x500  }
0xd1: {  	[tilespmem:s18], [sflag:$0x2] =	stream.indirect.gather [hbm4b:s4+s16], $0x80, s30, s16, $0xb8;
	[tilespmem:$0x1C400] =	vst v63  }
.Ltmp0:
0xd2: {  	_ =	swait.ge [sflag:s22], $0x4000;
	(pc) =	sbr.rel @p0 .LBB2_2-.Ltmp0, $4  }
0xd3: {  	[sflag:s22] =	ssyncset.done $0x0  }
0xd4: {  	[sflag:s22] =	ssyncadd.s32 $0xFFFFC000  }
0xd5: {  	_ =	swait.ge [sflag:s23], $0x4000  }
0xd6: {  	[sflag:s23] =	ssyncset.done $0x0  }
0xd7: {  	[sflag:s23] =	ssyncadd.s32 $0xFFFFC000  }
0xd8: {  	[spmem:s1] =	stream.indirect.scatter.add.f32 [tilespmem:s18], [sflag:$0x3], $0x80, s31, s16, $0xb8;
	[tilespmem:$0x1C400] =	vst v63  }
0xd9: {  	_ =	swait.ge [sflag:s23], $0x4000  }
0xda: {  	[sflag:s23] =	ssyncset.done $0x0  }
0xdb: {  	[sflag:s23] =	ssyncadd.s32 $0xFFFFC000  }
0xdc: {  	[bflag:$0x0] =	sbarrier.arrive $0xFFFF  }
0xdd: {  	s3 =	rddreg [dreg:$0xb]  }
0xde: {  	[hbm:s3], [sflag:s6] =	dma.local [spmem:s12], $0x2780  }
0xdf: {  	_ =	swait.ge [sflag:s13], $0x2780  }
0xe0: {  	s0 =	sadd.s32 $0x1, s0;
	s10 =	rddreg [dreg:$0xc]  }
0xe1: {  	p0 =	sne.s32 s0, s10  }
.Ltmp1:
0xe2: {  	_ = 	snop;
	(pc) =	sbr.rel @p0 .LBB2_1-.Ltmp1, $3  }
0xe3: {  	_ =	sdelay $0x1  }
0xe4: {  	[sflag:s13] =	ssyncset.done $0x0  }
0xe5: {  	[sflag:s13] =	ssyncadd.s32 $0xFFFFD880  }
0xe6: {  	_ =	sfence.sel $0x180000  }
0xe7: {  	[bflag:$0x0] =	sbarrier.arrive $0xFFFF  }
0xe8: {  	_ =	strace $0x9000004A  }
0xe9: {  	s0 =	stileid.u32;
	[bflag:$0x2] =	sbarrier.arrive $0xFFFF  }
0xea: {  	p0 =	sne.s32 s0, $0x0;
	s0 =	rddreg [dreg:$0x3]  }
0xeb: {  	s0 =	sadd.s32 @!p0 $0x100000, s0  }
0xec: {  	[sflag:s0] =	ssyncadd.tile.s32 @!p0 $0x1;
	_ =	shalt  }
.Lfunc_end2:
_tile_overlayer_lowered:
.L_overlay_start_2:
0xed: {  	(tag) =	ssettag $0x2  }
0xee: {  	s0 =	rddreg [dreg:$0x0];
	s2 =	stileid.u32  }
0xef: {  	s1 =	rddreg [dreg:$0x1];
	p0 =	sne.s32 s2, $0x0  }
0xf0: {  	s3 =	rddreg [dreg:$0x2];
	[bflag:$0x3] =	sbarrier.arrive $0xFFFF;
	s2 =	simm.s32 @!p0 $0x1C06  }
0xf1: {  	[timem:s3], [sflag:s2] =	dma.local @!p0 [hbm:s0], s1  }
0xf2: {  	s0 =	simm.s32 @!p0 $0x6  }
0xf3: {  	_ =	swait.ge @!p0 [sflag:s0], s1  }
0xf4: {  	s1 =	ssub.s32 @!p0 $0x0, s1;
	[sflag:s0] =	ssyncset.done @!p0 $0x0  }
0xf5: {  	[sflag:s0] =	ssyncadd.s32 @!p0 s1  }
0xf6: {  	[bflag:$0x3] =	sbarrier.arrive $0xFFFF  }
0xf7: {  	_ =	shalt  }

// kernel: kernel.9.cloned.1.call-start
scs
__scs_entry_jumppad:
0x0: {  	(pc) =	sbr.rel $0x88, $3  }
0x1: {  	(tag) =	ssettag $0x0;
	lr =	simm.s32 $0x1  }
0x2: {  	[smem:$0x3F97] =	sst lr;
	_ =	strace $0xD0000000  }
0x3: {  	_ = 	snop  }
0x4: {  	_ = 	snop  }
0x5: {  	_ = 	snop  }
0x6: {  	_ = 	snop  }
0x7: {  	_ = 	snop  }
__scs_overlays_trampoline_lowered:
0x8: {  	[smem:$0x3FA6] =	sst s0  }
0x9: {  	[smem:$0x3FA7] =	sst s1  }
0xa: {  	[smem:$0x3FA8] =	sst s2  }
0xb: {  	[smem:$0x3FA9] =	sst s3  }
0xc: {  	[smem:$0x3FAA] =	sst s4  }
0xd: {  	[smem:$0x3FAB] =	sst s5  }
0xe: {  	[smem:$0x3FAC] =	sst s6  }
0xf: {  	[smem:$0x3FAD] =	sst s7  }
0x10: {  	[smem:$0x3FAE] =	sst s8  }
0x11: {  	[smem:$0x3FAF] =	sst s9;
	s0 =	simm.s32 @!p0 $0x0  }
0x12: {  	s1 =	sld [smem:$0x3F95];
	s0 =	simm.s32 @p0 $0x1  }
0x13: {  	[smem:$0x3FB0] =	sst s0;
	s0 =	simm.s32 @!p1 $0x0  }
0x14: {  	s2 =	sld [smem:$0x3F94];
	s0 =	simm.s32 @p1 $0x1  }
0x15: {  	[smem:$0x3FB1] =	sst s0;
	s0 =	simm.s32 @!p2 $0x0  }
0x16: {  	s3 =	sld [smem:$0x3FDB];
	s0 =	simm.s32 @p2 $0x1  }
0x17: {  	s4 =	simm.s32 $0x1BF5;
	[smem:$0x3FB3] =	sst s0  }
0x18: {  	s0 =	sld [smem:$0x3F96];
	_ =	swait.ge [sflag:s4], $0x0  }
0x19: {  	s7 =	sld [smem:$0x3F97]  }
0x1a: {  	s8 =	sadd.s32 $0xFFFFE003, lr  }
0x1b: {  	s9 =	sadd.s32 $0xFFFFFEF7, lr;
	s5 =	simm.s32 $0xFFFFFFFF;
	p2 =	slt.u32 s8, $0xFFFFF086  }
0x1c: {  	p1 =	slt.u32 s9, $0xF7A;
	s5 =	simm.s32 @!p2 $0x0  }
0x1d: {  	s5 =	simm.s32 @p1 $0x1;
	p0 =	seq.s32 s7, s2  }
0x1e: {  	s7 =	smul.u32 @!p0 $0xF7A, s2;
	p2 =	seq.s32 @!p0 s5, $0x0  }
0x1f: {  	s9 =	smul.u32 $0xF7A, s1;
	s8 =	simm.s32 @!p0 $0x1BF5;
	p2 =	por !p2, p0  }
0x20: {  	[sflag:s8] =	ssyncset.s32 @!p0 $0xFFFFF086;
	s6 =	sadd.s32 @!p0 s3, s7;
	s7 =	simm.s32 @!p0 $0x108  }
0x21: {  	s3 =	sadd.s32 s3, s9;
	s6 =	sadd.s32 @!p0 $0x88, s6;
	s7 =	simm.s32 @p2 $0x1082  }
0x22: {  	[simem:s7], [sflag:s8] =	dma.local @!p0 [hbm:s6], $0xF7A  }
0x23: {  	s9 =	sor.u32 $0xD0000000, s2;
	s6 =	simm.s32 $0x108;
	_ =	swait.ge @!p0 [sflag:s8], $0x0  }
0x24: {  	s3 =	sadd.s32 $0x88, s3;
	s6 =	simm.s32 @!p1 $0x1082;
	[sflag:s4] =	ssyncset.s32 $0xFFFFF086  }
0x25: {  	[simem:s6], [sflag:s4] =	dma.local [hbm:s3], $0xF7A  }
0x26: {  	[smem:$0x3F97] =	sst s1;
	(tag) =	ssettag s2;
	_ =	strace s9  }
0x27: {  	s1 =	sld [smem:$0x3FA7]  }
0x28: {  	s2 =	sld [smem:$0x3FA8]  }
0x29: {  	s4 =	sld [smem:$0x3FAA]  }
0x2a: {  	p0 =	seq.s32 s5, $0x0;
	s5 =	sld [smem:$0x3FAB]  }
0x2b: {  	s6 =	sld [smem:$0x3FAC]  }
0x2c: {  	s7 =	sld [smem:$0x3FAD]  }
0x2d: {  	s3 =	simm.s32 $0x108;
	s8 =	sld [smem:$0x3FAE]  }
0x2e: {  	s3 =	simm.s32 @!p0 $0x1082;
	s9 =	sld [smem:$0x3FAF]  }
0x2f: {  	lr =	sadd.s32 s0, s3;
	s0 =	sld [smem:$0x3FA6]  }
0x30: {  	s3 =	sld [smem:$0x3FA9]  }
0x31: {  	[smem:$0x3FB2] =	sst s10  }
0x32: {  	s10 =	sld [smem:$0x3FB0];
	_ =	sdelay $0x3  }
0x33: {  	p0 =	seq.s32 s10, $0x1;
	s10 =	sld [smem:$0x3FB2];
	_ =	sdelay $0x3  }
0x34: {  	[smem:$0x3FB2] =	sst s10  }
0x35: {  	s10 =	sld [smem:$0x3FB1];
	_ =	sdelay $0x3  }
0x36: {  	p1 =	seq.s32 s10, $0x1;
	s10 =	sld [smem:$0x3FB2];
	_ =	sdelay $0x3  }
0x37: {  	[smem:$0x3FB2] =	sst s10  }
0x38: {  	s10 =	sld [smem:$0x3FB3]  }
0x39: {  	_ = 	snop;
	(pc) =	sbr.ind lr, $3  }
0x3a: {  	_ = 	snop  }
0x3b: {  	_ = 	snop  }
0x3c: {  	p2 =	seq.s32 s10, $0x1;
	s10 =	sld [smem:$0x3FB2]  }
0x3d: {  	_ =	shalt  }
0x3e: {  	_ =	shalt  }
0x3f: {  	_ =	shalt  }
0x40: {  	_ =	shalt  }
0x41: {  	_ =	shalt  }
0x42: {  	_ =	shalt  }
0x43: {  	_ =	shalt  }
0x44: {  	_ =	shalt  }
0x45: {  	_ =	shalt  }
0x46: {  	_ =	shalt  }
0x47: {  	_ =	shalt  }
0x48: {  	_ =	shalt  }
0x49: {  	_ =	shalt  }
0x4a: {  	_ =	shalt  }
0x4b: {  	_ =	shalt  }
0x4c: {  	_ =	shalt  }
0x4d: {  	_ =	shalt  }
0x4e: {  	_ =	shalt  }
0x4f: {  	_ =	shalt  }
0x50: {  	_ =	shalt  }
0x51: {  	_ =	shalt  }
0x52: {  	_ =	shalt  }
0x53: {  	_ =	shalt  }
0x54: {  	_ =	shalt  }
0x55: {  	_ =	shalt  }
0x56: {  	_ =	shalt  }
0x57: {  	_ =	shalt  }
0x58: {  	_ =	shalt  }
0x59: {  	_ =	shalt  }
0x5a: {  	_ =	shalt  }
0x5b: {  	_ =	shalt  }
0x5c: {  	_ =	shalt  }
0x5d: {  	_ =	shalt  }
0x5e: {  	_ =	shalt  }
0x5f: {  	_ =	shalt  }
0x60: {  	_ =	shalt  }
0x61: {  	_ =	shalt  }
0x62: {  	_ =	shalt  }
0x63: {  	_ =	shalt  }
0x64: {  	_ =	shalt  }
0x65: {  	_ =	shalt  }
0x66: {  	_ =	shalt  }
0x67: {  	_ =	shalt  }
0x68: {  	_ =	shalt  }
0x69: {  	_ =	shalt  }
0x6a: {  	_ =	shalt  }
0x6b: {  	_ =	shalt  }
0x6c: {  	_ =	shalt  }
0x6d: {  	_ =	shalt  }
0x6e: {  	_ =	shalt  }
0x6f: {  	_ =	shalt  }
0x70: {  	_ =	shalt  }
0x71: {  	_ =	shalt  }
0x72: {  	_ =	shalt  }
0x73: {  	_ =	shalt  }
0x74: {  	_ =	shalt  }
0x75: {  	_ =	shalt  }
0x76: {  	_ =	shalt  }
0x77: {  	_ =	shalt  }
0x78: {  	_ =	shalt  }
0x79: {  	_ =	shalt  }
0x7a: {  	_ =	shalt  }
0x7b: {  	_ =	shalt  }
0x7c: {  	_ =	shalt  }
0x7d: {  	_ =	shalt  }
0x7e: {  	_ =	shalt  }
0x7f: {  	_ =	shalt  }
0x80: {  	_ =	shalt  }
0x81: {  	_ =	shalt  }
0x82: {  	_ =	shalt  }
0x83: {  	_ =	shalt  }
0x84: {  	_ =	shalt  }
0x85: {  	_ =	shalt  }
0x86: {  	_ =	shalt  }
0x87: {  	_ =	shalt  }
.Lfunc_end0:
.L_simem_size_0:
called_computation_lowered:
.L_overlay_start_0:
0x88: {  	s2 =	sld [smem:$0x3FD9]  }
0x89: {  	s3 =	sld [smem:$0x3FFE];
	_ =	sdelay $0x1  }
0x8a: {  	s1 =	srdreg.scid  }
0x8b: {  	s0 =	sand.u32 $0x1, s1  }
0x8c: {  	s17 =	sshll.u32 s0, $0xA;
	s2 =	sadd.s32 s3, s2  }
0x8d: {  	s2 =	sadd.s32 s2, s17  }
0x8e: {  	[smem:$0x3FBE] =	sst s2  }
0x8f: {  	_ = 	snop  }
0x90: {  	s2 =	sld [smem:$0x3FD0];
	(tm) =	ssettm $0x1  }
0x91: {  	s18 =	sld [smem:$0x3FFB];
	_ =	sdelay $0x3  }
0x92: {  	_ =	strace s18  }
0x93: {  	s3 =	sld [smem:$0x3FFC];
	_ =	sdelay $0x3  }
0x94: {  	_ =	strace s3  }
0x95: {  	s3 =	sld [smem:$0x3FFD];
	_ =	sdelay $0x3  }
0x96: {  	_ =	strace s3  }
0x97: {  	_ =	strace $0x8FFFFFFF  }
0x98: {  	s19 =	sld [smem:$0x3FDB];
	_ =	sdelay $0x1  }
0x99: {  	s4 =	simm.s32 $_scs_section_size  }
0x9a: {  	s5 =	simm.s32 $_size__tile_overlayer_lowered;
	s6 =	simm.s32 $_tile_overlayer_lowered  }
0x9b: {  	s22 =	simm.s32 $0x1BFF;
	s21 =	sshll.u32 s6, $0x1;
	s3 =	sadd.s32 s4, s19  }
0x9c: {  	s7 =	simm.s32 $0x0;
	s20 =	sshll.u32 s5, $0x1;
	s5 =	sadd.s32 s21, s3  }
0x9d: {  	[timem:s7], [sflag:s22] =	dma.local [hbm:s5], s20  }
0x9e: {  	_ =	swait.ge [sflag:s22], s20  }
0x9f: {  	s4 =	ssub.s32 $0x0, s20;
	[sflag:s22] =	ssyncset.done $0x0  }
0xa0: {  	[sflag:s22] =	ssyncadd.s32 s4;
	_ =	sdelay $0x1  }
0xa1: {  	s23 =	simm.s32 $0x1B8B  }
0xa2: {  	_ =	swait.ge [sflag:s23], $0x1  }
0xa3: {  	[sflag:s23] =	ssyncset.done $0x0  }
0xa4: {  	s25 =	simm.s32 $0x1B8E;
	s24 =	sld [smem:$0x3FFE];
	[sflag:s23] =	ssyncadd.s32 $0xFFFFFFFF  }
0xa5: {  	s26 =	simm.s32 $execute0_lowered;
	[smem:$0x3FD2] =	sst s25  }
0xa6: {  	s5 =	sshll.u32 s26, $0x1;
	_ =	strace $0x80000046;
	[dreg:$0x1] =	wrdreg $0xFFFFFFFF  }
0xa7: {  	s28 =	simm.s32 $_size_execute0_lowered;
	s3 =	sadd.s32 s3, s5;
	[dreg:$0x0] =	wrdreg $0x0  }
0xa8: {  	s5 =	sshll.u32 s28, $0x1;
	[dreg:$0x2] =	wrdreg s3  }
0xa9: {  	[dreg:$0x3] =	wrdreg s5  }
0xaa: {  	[dreg:$0x4] =	wrdreg $0xC0  }
0xab: {  	_ =	task [dreg:s7], $0x5FFFF  }
0xac: {  	[dreg:$0x1] =	wrdreg $0xFFFFFFFF  }
0xad: {  	[dreg:$0x0] =	wrdreg $0x60  }
0xae: {  	[dreg:$0x2] =	wrdreg s24  }
0xaf: {  	[dreg:$0x3] =	wrdreg s2  }
0xb0: {  	[dreg:$0x4] =	wrdreg $0x98000  }
0xb1: {  	[dreg:$0x5] =	wrdreg $0x9  }
0xb2: {  	_ =	task.clear_ibuf [dreg:s7], $0x6FFFF;
	_ =	strace $0x90000046  }
0xb3: {  	s29 =	simm.s32 $0x9;
	_ =	strace $0x80000048  }
0xb4: {  	_ =	swait.ge [sflag:s29], $0x1  }
0xb5: {  	[sflag:s29] =	ssyncadd.s32 $0xFFFFFFFF  }
0xb6: {  	_ =	strace $0x90000048  }
0xb7: {  	_ =	sfence  }
0xb8: {  	s30 =	sld [smem:$0x0];
	_ =	sdelay $0x2  }
0xb9: {  	s31 =	sshll.u32 s1, $0xD;
	s1 =	sshrl.u32 s1, $0x2  }
0xba: {  	s3 =	sand.u32 $0x4000, s31;
	s1 =	sadd.s32 s1, s30  }
0xbb: {  	s0 =	sor.u32 s3, s0;
	s1 =	sshll.u32 s1, $0x11  }
0xbc: {  	s0 =	sor.u32 s1, s0  }
0xbd: {  	s0 =	sadd.s32 $0x8F2B, s0  }
0xbe: {  	[sflag:s0] =	ssyncadd.remote.s32 $0x1  }
0xbf: {  	_ =	sfence.sel $0xFFFF  }
0xc0: {  	[dreg:$0x0] =	wrdreg $0xFFFFFFFF;
	(pc) =	sbr.abs _section_cstart, $3  }
0xc1: {  	[dreg:$0x1] =	wrdreg $0xFFFFFFFF  }
0xc2: {  	_ =	task.clear_ibuf [dreg:s7], $0x2FFFF;
	_ =	strace $0x9FFFFFFF  }
0xc3: {  	(tm) =	ssettm $0x7FFFFFFF  }
tec
execute0_lowered:
.L_overlay_start_1:
0x0: {  	(tag) =	ssettag $0x1  }
0x1: {  	s0 =	rddreg [dreg:$0x0]  }
0x2: {  	s2 =	rddreg [dreg:$0x1]  }
0x3: {  	s1 =	rddreg [dreg:$0x2]  }
0x4: {  	s3 =	srdreg.scid;
	s13 =	stileid.u32  }
0x5: {  	s14 =	simm.s32 $0x4;
	s25 =	simm.s32 $0x280;
	s26 =	simm.s32 $0x100  }
0x6: {  	s28 =	simm.s32 $0x480;
	s29 =	simm.s32 $0x680;
	s30 =	simm.s32 $0x500  }
0x7: {  	s31 =	simm.s32 $0x700;
	s5 =	sand.u32 $0x1, s3;
	s6 =	smul.u32 $0x16380, s13  }
0x8: {  	s3 =	simm.s32 $0x0;
	s10 =	sadd.s32 $0x2A00, s0;
	s12 =	smul.u32 $0x2800, s13  }
0x9: {  	s17 =	sshll.u32 s13, $0x6;
	s4 =	sshll.u32 s5, $0x4;
	s9 =	smul.u32 $0x28000, s5  }
0xa: {  	[smem:$0x7FF] =	sst s3;
	s8 =	ssub.s32 $0x2, s5;
	s5 =	smul.u32 $0x163800, s5  }
0xb: {  	s4 =	sor.u32 s13, s4;
	_ =	strace $0x80000047;
	s11 =	sshrl.u32 s8, $0x1  }
0xc: {  	s16 =	sadd.s32 s6, s1;
	s13 =	simm.s32 $0x200;
	[dreg:$0x8] =	wrdreg s25  }
0xd: {  	[dreg:$0x9] =	wrdreg s26;
	s25 =	simm.s32 $0x5;
	s26 =	simm.s32 $0x380  }
0xe: {  	s7 =	smul.u32 $0x2800, s4;
	s4 =	sadd.s32 $0x16A00, s0;
	s0 =	sadd.s32 $0x42A00, s0  }
0xf: {  	s15 =	ssub.s32 s8, s11;
	s9 =	sadd.s32 s12, s9;
	s11 =	sor.u32 $0x1C06, s17  }
0x10: {  	s5 =	sadd.s32 s6, s5;
	s8 =	sshrl.u32 s16, $0x3;
	s16 =	simm.s32 $0x800  }
0x11: {  	s17 =	simm.s32 $0x5000;
	[dreg:$0xa] =	wrdreg s0;
	s12 =	sadd.s32 $0x50400, s9  }
0x12: {  	s20 =	sor.u32 $0x400, s9;
	s22 =	sshrl.u32 s9, $0x3;
	s9 =	sadd.s32 $0x50200, s9  }
0x13: {  	s5 =	sshrl.u32 s5, $0x3;
	s0 =	smax.u32 s15, $0x1;
	s15 =	simm.s32 $0x80  }
0x14: {  	[dreg:$0xf] =	wrdreg s8;
	s7 =	sshrl.u32 s7, $0x3;
	s18 =	sshrl.u32 s12, $0x3  }
0x15: {  	s21 =	sshrl.u32 s20, $0x3;
	s9 =	sshrl.u32 s9, $0x3;
	s2 =	sadd.s32 s2, s5  }
0x16: {  	[dreg:$0xe] =	wrdreg s0;
	s12 =	simm.s32 $0x6;
	s20 =	simm.s32 $0x1  }
0x17: {  	s0 =	simm.s32 $0x580;
	s7 =	sadd.s32 s10, s7;
	[dreg:$0xd] =	wrdreg s2  }
0x18: {  	s5 =	simm.s32 $0x0;
	s19 =	sadd.s32 s18, s10;
	[dreg:$0xb] =	wrdreg s7  }
0x19: {  	s6 =	sadd.s32 s21, s10;
	s24 =	sadd.s32 s9, s10;
	[dreg:$0x4] =	wrdreg s19  }
0x1a: {  	s18 =	simm.s32 $0x400;
	s21 =	simm.s32 $0x2;
	[dreg:$0x5] =	wrdreg s6  }
0x1b: {  	s2 =	simm.s32 $0x780;
	s7 =	sadd.s32 $0xA000, s7;
	[dreg:$0x7] =	wrdreg s24  }
0x1c: {  	[dreg:$0xc] =	wrdreg s7;
	s7 =	smov.u32 s11;
	s11 =	sadd.s32 s22, s10  }
0x1d: {  	s19 =	simm.s32 $0x600;
	s24 =	simm.s32 $0x180;
	s23 =	sadd.s32 $0x40, s11  }
0x1e: {  	s22 =	simm.s32 $0x3;
	[dreg:$0x6] =	wrdreg s23;
	s23 =	simm.s32 $0x300  }
.LBB2_1:
0x1f: {  	s6 =	rddreg [dreg:$0xa]  }
0x20: {  	[spmem:s8], [sflag:s7] =	dma.local [hbm:s6], $0x2C70  }
0x21: {  	_ =	swait.ge [sflag:s12], $0x2C70  }
0x22: {  	[sflag:s12] =	ssyncset.done $0x0  }
0x23: {  	s8 =	rddreg [dreg:$0xb];
	[sflag:s12] =	ssyncadd.s32 $0xFFFFD390  }
0x24: {  	[tilespmem:s3], [sflag:$0x4] =	stream.linear.gather [hbm4b:s8+s3], $0x200, $0x38;
	[tilespmem:$0x1FB80] =	vst v63  }
0x25: {  	s9 =	rddreg [dreg:$0xc]  }
0x26: {  	[tilespmem:s13], [sflag:$0x4] =	stream.linear.gather [hbm4b:s9+s3], $0x200, $0x38;
	[tilespmem:$0x1FB80] =	vst v63  }
0x27: {  	[bflag:$0x0] =	sbarrier.arrive $0xFFFF  }
0x28: {  	_ =	swait.ge [sflag:s14], $0x200  }
0x29: {  	[sflag:s14] =	ssyncset.done $0x0  }
0x2a: {  	[sflag:s14] =	ssyncadd.s32 $0xFFFFFE00  }
0x2b: {  	_ =	swait.ge [sflag:s14], $0x200  }
0x2c: {  	p0 =	por $0x1, $0x1;
	[sflag:s14] =	ssyncset.done $0x0  }
0x2d: {  	s6 =	simm.s32 @!p0 $0x3;
	[sflag:s14] =	ssyncadd.s32 $0xFFFFFE00  }
0x2e: {  	_ =	swait.ge @!p0 [sflag:s6], $0x4800  }
0x2f: {  	[sflag:s6] =	ssyncset.done @!p0 $0x0  }
0x30: {  	[sflag:s6] =	ssyncadd.s32 @!p0 $0xFFFFB800  }
0x31: {  	[tilespmem:s16], [sflag:$0x1] =	stream.indirect.gather [hbm4b:s4+s15], $0x90, s3, s15, $0xb8;
	[tilespmem:$0x1FB80] =	vst v63  }
0x32: {  	s10 =	rddreg [dreg:$0x6]  }
0x33: {  	[tilespmem:s17], [sflag:$0x2] =	stream.indirect.gather [hbm4b:s4+s15], $0x90, s15, s15, $0xb8;
	[tilespmem:$0x1FB80] =	vst v63  }
0x34: {  	s11 =	smov.u32 s7;
	s7 =	rddreg [dreg:$0x7];
	s6 =	sadd.s32 $0x0, s10  }
0x35: {  	[tilespmem:s18], [sflag:$0x5] =	stream.linear.gather [hbm4b:s6+s3], $0x200, $0x38;
	[tilespmem:$0x1FB80] =	vst v63  }
0x36: {  	s8 =	sadd.s32 $0x0, s7  }
0x37: {  	[tilespmem:s19], [sflag:$0x5] =	stream.linear.gather [hbm4b:s8+s3], $0x200, $0x38;
	[tilespmem:$0x1FB80] =	vst v63  }
0x38: {  	_ =	swait.ge [sflag:s20], $0x4800  }
0x39: {  	[sflag:s20] =	ssyncset.done $0x0  }
0x3a: {  	[sflag:s20] =	ssyncadd.s32 $0xFFFFB800  }
0x3b: {  	[spmem:s1] =	stream.indirect.scatter.add.f32 [tilespmem:s16], [sflag:$0x3], $0x90, s13, s15, $0xb8;
	[tilespmem:$0x1FB80] =	vst v63  }
0x3c: {  	_ =	swait.ge [sflag:s21], $0x4800  }
0x3d: {  	[sflag:s21] =	ssyncset.done $0x0  }
0x3e: {  	[sflag:s21] =	ssyncadd.s32 $0xFFFFB800  }
0x3f: {  	_ =	swait.ge [sflag:s22], $0x4800  }
0x40: {  	[sflag:s22] =	ssyncset.done $0x0  }
0x41: {  	s9 =	rddreg [dreg:$0x8];
	[sflag:s22] =	ssyncadd.s32 $0xFFFFB800  }
0x42: {  	[spmem:s1] =	stream.indirect.scatter.add.f32 [tilespmem:s17], [sflag:$0x3], $0x90, s9, s15, $0xb8;
	[tilespmem:$0x1FB80] =	vst v63  }
0x43: {  	s10 =	rddreg [dreg:$0x9]  }
0x44: {  	[tilespmem:s16], [sflag:$0x1] =	stream.indirect.gather [hbm4b:s4+s15], $0x90, s10, s15, $0xb8;
	[tilespmem:$0x1FB80] =	vst v63  }
0x45: {  	_ =	swait.ge [sflag:s20], $0x4800  }
0x46: {  	[sflag:s20] =	ssyncset.done $0x0  }
0x47: {  	[sflag:s20] =	ssyncadd.s32 $0xFFFFB800  }
0x48: {  	_ =	swait.ge [sflag:s22], $0x4800  }
0x49: {  	[sflag:s22] =	ssyncset.done $0x0  }
0x4a: {  	[sflag:s22] =	ssyncadd.s32 $0xFFFFB800  }
0x4b: {  	[spmem:s1] =	stream.indirect.scatter.add.f32 [tilespmem:s16], [sflag:$0x3], $0x90, s23, s15, $0xb8;
	[tilespmem:$0x1FB80] =	vst v63  }
0x4c: {  	_ = 	snop  }
0x4d: {  	[tilespmem:s17], [sflag:$0x2] =	stream.indirect.gather [hbm4b:s4+s15], $0x90, s24, s15, $0xb8;
	[tilespmem:$0x1FB80] =	vst v63  }
0x4e: {  	_ =	swait.ge [sflag:s25], $0x200  }
0x4f: {  	[sflag:s25] =	ssyncset.done $0x0  }
0x50: {  	[sflag:s25] =	ssyncadd.s32 $0xFFFFFE00  }
0x51: {  	_ =	swait.ge [sflag:s25], $0x200  }
0x52: {  	[sflag:s25] =	ssyncset.done $0x0  }
0x53: {  	[sflag:s25] =	ssyncadd.s32 $0xFFFFFE00  }
0x54: {  	_ =	swait.ge [sflag:s21], $0x4800  }
0x55: {  	[sflag:s21] =	ssyncset.done $0x0  }
0x56: {  	[sflag:s21] =	ssyncadd.s32 $0xFFFFB800  }
0x57: {  	_ =	swait.ge [sflag:s22], $0x4800  }
0x58: {  	[sflag:s22] =	ssyncset.done $0x0  }
0x59: {  	[sflag:s22] =	ssyncadd.s32 $0xFFFFB800  }
0x5a: {  	[spmem:s1] =	stream.indirect.scatter.add.f32 [tilespmem:s17], [sflag:$0x3], $0x90, s26, s15, $0xb8;
	[tilespmem:$0x1FB80] =	vst v63  }
0x5b: {  	_ = 	snop  }
0x5c: {  	[tilespmem:s16], [sflag:$0x1] =	stream.indirect.gather [hbm4b:s4+s15], $0x90, s18, s15, $0xb8;
	[tilespmem:$0x1FB80] =	vst v63  }
0x5d: {  	_ =	swait.ge [sflag:s20], $0x4800  }
0x5e: {  	[sflag:s20] =	ssyncset.done $0x0  }
0x5f: {  	[sflag:s20] =	ssyncadd.s32 $0xFFFFB800  }
0x60: {  	_ =	swait.ge [sflag:s22], $0x4800  }
0x61: {  	[sflag:s22] =	ssyncset.done $0x0  }
0x62: {  	[sflag:s22] =	ssyncadd.s32 $0xFFFFB800  }
0x63: {  	[spmem:s1] =	stream.indirect.scatter.add.f32 [tilespmem:s16], [sflag:$0x3], $0x90, s19, s15, $0xb8;
	[tilespmem:$0x1FB80] =	vst v63  }
0x64: {  	p0 =	por $0x0, $0x0;
	s6 =	rddreg [dreg:$0x5]  }
0x65: {  	[tilespmem:s17], [sflag:$0x2] =	stream.indirect.gather [hbm4b:s4+s15], $0x90, s28, s15, $0xb8;
	[tilespmem:$0x1FB80] =	vst v63  }
0x66: {  	s9 =	simm.s32 @!p0 $0x0;
	s8 =	rddreg [dreg:$0x4];
	s6 =	sadd.s32 @!p0 $0x0, s6  }
0x67: {  	[tilespmem:s9], [sflag:$0x4] =	stream.linear.gather @!p0 [hbm4b:s6+s9], $0x200, $0x38;
	[tilespmem:$0x1FB80] =	vst v63  }
0x68: {  	s6 =	sadd.s32 @!p0 $0x0, s8;
	s8 =	simm.s32 @!p0 $0x200  }
0x69: {  	[tilespmem:s8], [sflag:$0x4] =	stream.linear.gather @!p0 [hbm4b:s6+s9], $0x200, $0x38;
	[tilespmem:$0x1FB80] =	vst v63  }
0x6a: {  	_ =	swait.ge [sflag:s21], $0x4800  }
0x6b: {  	[sflag:s21] =	ssyncset.done $0x0  }
0x6c: {  	[sflag:s21] =	ssyncadd.s32 $0xFFFFB800  }
0x6d: {  	_ =	swait.ge [sflag:s22], $0x4800  }
0x6e: {  	[sflag:s22] =	ssyncset.done $0x0  }
0x6f: {  	[sflag:s22] =	ssyncadd.s32 $0xFFFFB800  }
0x70: {  	[spmem:s1] =	stream.indirect.scatter.add.f32 [tilespmem:s17], [sflag:$0x3], $0x90, s29, s15, $0xb8;
	[tilespmem:$0x1FB80] =	vst v63  }
0x71: {  	_ = 	snop  }
0x72: {  	[tilespmem:s16], [sflag:$0x1] =	stream.indirect.gather [hbm4b:s4+s15], $0x90, s30, s15, $0xb8;
	[tilespmem:$0x1FB80] =	vst v63  }
0x73: {  	_ =	swait.ge [sflag:s20], $0x4800  }
0x74: {  	[sflag:s20] =	ssyncset.done $0x0  }
0x75: {  	[sflag:s20] =	ssyncadd.s32 $0xFFFFB800  }
0x76: {  	_ =	swait.ge [sflag:s22], $0x4800  }
0x77: {  	[sflag:s22] =	ssyncset.done $0x0  }
0x78: {  	[sflag:s22] =	ssyncadd.s32 $0xFFFFB800  }
0x79: {  	[spmem:s1] =	stream.indirect.scatter.add.f32 [tilespmem:s16], [sflag:$0x3], $0x90, s31, s15, $0xb8;
	[tilespmem:$0x1FB80] =	vst v63  }
0x7a: {  	_ = 	snop  }
0x7b: {  	[tilespmem:s17], [sflag:$0x2] =	stream.indirect.gather [hbm4b:s4+s15], $0x90, s0, s15, $0xb8;
	[tilespmem:$0x1FB80] =	vst v63  }
0x7c: {  	_ =	swait.ge [sflag:s21], $0x4800  }
0x7d: {  	[sflag:s21] =	ssyncset.done $0x0  }
0x7e: {  	[sflag:s21] =	ssyncadd.s32 $0xFFFFB800  }
0x7f: {  	_ =	swait.ge [sflag:s22], $0x4800  }
0x80: {  	[sflag:s22] =	ssyncset.done $0x0  }
0x81: {  	s8 =	simm.s32 $0x80;
	[sflag:s22] =	ssyncadd.s32 $0xFFFFB800  }
.LBB2_2:
0x82: {  	[spmem:s1] =	stream.indirect.scatter.add.f32 [tilespmem:s17], [sflag:$0x3], $0x90, s2, s15, $0xb8;
	[tilespmem:$0x1FB80] =	vst v63  }
0x83: {  	_ =	swait.ge [sflag:s14], $0x200  }
0x84: {  	[sflag:s14] =	ssyncset.done $0x0  }
0x85: {  	[sflag:s14] =	ssyncadd.s32 $0xFFFFFE00  }
0x86: {  	s6 =	smov.u32 s8;
	_ =	swait.ge [sflag:s14], $0x200  }
0x87: {  	p1 =	seq.s32 s6, $0x0;
	[sflag:s14] =	ssyncset.done $0x0  }
0x88: {  	s9 =	simm.s32 @!p1 $0x3;
	[sflag:s14] =	ssyncadd.s32 $0xFFFFFE00  }
0x89: {  	_ =	swait.ge @!p1 [sflag:s9], $0x4800  }
0x8a: {  	[sflag:s9] =	ssyncset.done @!p1 $0x0  }
0x8b: {  	[sflag:s9] =	ssyncadd.s32 @!p1 $0xFFFFB800  }
0x8c: {  	[tilespmem:s16], [sflag:$0x1] =	stream.indirect.gather [hbm4b:s4+s15], $0x90, s3, s15, $0xb8;
	[tilespmem:$0x1FB80] =	vst v63  }
0x8d: {  	s7 =	rddreg [dreg:$0x6]  }
0x8e: {  	[tilespmem:s17], [sflag:$0x2] =	stream.indirect.gather [hbm4b:s4+s15], $0x90, s15, s15, $0xb8;
	[tilespmem:$0x1FB80] =	vst v63  }
0x8f: {  	s10 =	rddreg [dreg:$0x7];
	s9 =	sadd.s32 s6, s7  }
0x90: {  	[tilespmem:s18], [sflag:$0x5] =	stream.linear.gather [hbm4b:s9+s3], $0x200, $0x38;
	[tilespmem:$0x1FB80] =	vst v63  }
0x91: {  	s7 =	sadd.s32 s6, s10  }
0x92: {  	[tilespmem:s19], [sflag:$0x5] =	stream.linear.gather [hbm4b:s7+s3], $0x200, $0x38;
	[tilespmem:$0x1FB80] =	vst v63  }
0x93: {  	_ =	swait.ge [sflag:s20], $0x4800  }
0x94: {  	[sflag:s20] =	ssyncset.done $0x0  }
0x95: {  	[sflag:s20] =	ssyncadd.s32 $0xFFFFB800  }
0x96: {  	[spmem:s1] =	stream.indirect.scatter.add.f32 [tilespmem:s16], [sflag:$0x3], $0x90, s13, s15, $0xb8;
	[tilespmem:$0x1FB80] =	vst v63  }
0x97: {  	_ =	swait.ge [sflag:s21], $0x4800  }
0x98: {  	[sflag:s21] =	ssyncset.done $0x0  }
0x99: {  	[sflag:s21] =	ssyncadd.s32 $0xFFFFB800  }
0x9a: {  	_ =	swait.ge [sflag:s22], $0x4800  }
0x9b: {  	[sflag:s22] =	ssyncset.done $0x0  }
0x9c: {  	s10 =	rddreg [dreg:$0x8];
	[sflag:s22] =	ssyncadd.s32 $0xFFFFB800  }
0x9d: {  	[spmem:s1] =	stream.indirect.scatter.add.f32 [tilespmem:s17], [sflag:$0x3], $0x90, s10, s15, $0xb8;
	[tilespmem:$0x1FB80] =	vst v63  }
0x9e: {  	s7 =	rddreg [dreg:$0x9]  }
0x9f: {  	[tilespmem:s16], [sflag:$0x1] =	stream.indirect.gather [hbm4b:s4+s15], $0x90, s7, s15, $0xb8;
	[tilespmem:$0x1FB80] =	vst v63  }
0xa0: {  	_ =	swait.ge [sflag:s20], $0x4800  }
0xa1: {  	[sflag:s20] =	ssyncset.done $0x0  }
0xa2: {  	[sflag:s20] =	ssyncadd.s32 $0xFFFFB800  }
0xa3: {  	_ =	swait.ge [sflag:s22], $0x4800  }
0xa4: {  	[sflag:s22] =	ssyncset.done $0x0  }
0xa5: {  	[sflag:s22] =	ssyncadd.s32 $0xFFFFB800  }
0xa6: {  	[spmem:s1] =	stream.indirect.scatter.add.f32 [tilespmem:s16], [sflag:$0x3], $0x90, s23, s15, $0xb8;
	[tilespmem:$0x1FB80] =	vst v63  }
0xa7: {  	_ = 	snop  }
0xa8: {  	[tilespmem:s17], [sflag:$0x2] =	stream.indirect.gather [hbm4b:s4+s15], $0x90, s24, s15, $0xb8;
	[tilespmem:$0x1FB80] =	vst v63  }
0xa9: {  	_ =	swait.ge [sflag:s25], $0x200  }
0xaa: {  	[sflag:s25] =	ssyncset.done $0x0  }
0xab: {  	[sflag:s25] =	ssyncadd.s32 $0xFFFFFE00  }
0xac: {  	_ =	swait.ge [sflag:s25], $0x200  }
0xad: {  	[sflag:s25] =	ssyncset.done $0x0  }
0xae: {  	[sflag:s25] =	ssyncadd.s32 $0xFFFFFE00  }
0xaf: {  	_ =	swait.ge [sflag:s21], $0x4800  }
0xb0: {  	[sflag:s21] =	ssyncset.done $0x0  }
0xb1: {  	[sflag:s21] =	ssyncadd.s32 $0xFFFFB800  }
0xb2: {  	_ =	swait.ge [sflag:s22], $0x4800  }
0xb3: {  	[sflag:s22] =	ssyncset.done $0x0  }
0xb4: {  	[sflag:s22] =	ssyncadd.s32 $0xFFFFB800  }
0xb5: {  	[spmem:s1] =	stream.indirect.scatter.add.f32 [tilespmem:s17], [sflag:$0x3], $0x90, s26, s15, $0xb8;
	[tilespmem:$0x1FB80] =	vst v63  }
0xb6: {  	_ = 	snop  }
0xb7: {  	[tilespmem:s16], [sflag:$0x1] =	stream.indirect.gather [hbm4b:s4+s15], $0x90, s18, s15, $0xb8;
	[tilespmem:$0x1FB80] =	vst v63  }
0xb8: {  	_ =	swait.ge [sflag:s20], $0x4800  }
0xb9: {  	[sflag:s20] =	ssyncset.done $0x0  }
0xba: {  	[sflag:s20] =	ssyncadd.s32 $0xFFFFB800  }
0xbb: {  	_ =	swait.ge [sflag:s22], $0x4800  }
0xbc: {  	[sflag:s22] =	ssyncset.done $0x0  }
0xbd: {  	[sflag:s22] =	ssyncadd.s32 $0xFFFFB800  }
0xbe: {  	[spmem:s1] =	stream.indirect.scatter.add.f32 [tilespmem:s16], [sflag:$0x3], $0x90, s19, s15, $0xb8;
	[tilespmem:$0x1FB80] =	vst v63  }
0xbf: {  	p1 =	seq.s32 s6, $0x480;
	s9 =	rddreg [dreg:$0x5]  }
0xc0: {  	[tilespmem:s17], [sflag:$0x2] =	stream.indirect.gather [hbm4b:s4+s15], $0x90, s28, s15, $0xb8;
	[tilespmem:$0x1FB80] =	vst v63  }
0xc1: {  	s7 =	simm.s32 @!p1 $0x0;
	s10 =	rddreg [dreg:$0x4];
	s9 =	sadd.s32 @!p1 s6, s9  }
0xc2: {  	[tilespmem:s7], [sflag:$0x4] =	stream.linear.gather @!p1 [hbm4b:s9+s7], $0x200, $0x38;
	[tilespmem:$0x1FB80] =	vst v63  }
0xc3: {  	s6 =	sadd.s32 @!p1 s6, s10;
	s9 =	simm.s32 @!p1 $0x200  }
0xc4: {  	[tilespmem:s9], [sflag:$0x4] =	stream.linear.gather @!p1 [hbm4b:s6+s7], $0x200, $0x38;
	[tilespmem:$0x1FB80] =	vst v63  }
0xc5: {  	_ =	swait.ge [sflag:s21], $0x4800  }
0xc6: {  	[sflag:s21] =	ssyncset.done $0x0  }
0xc7: {  	[sflag:s21] =	ssyncadd.s32 $0xFFFFB800  }
0xc8: {  	_ =	swait.ge [sflag:s22], $0x4800  }
0xc9: {  	[sflag:s22] =	ssyncset.done $0x0  }
0xca: {  	[sflag:s22] =	ssyncadd.s32 $0xFFFFB800  }
0xcb: {  	[spmem:s1] =	stream.indirect.scatter.add.f32 [tilespmem:s17], [sflag:$0x3], $0x90, s29, s15, $0xb8;
	[tilespmem:$0x1FB80] =	vst v63  }
0xcc: {  	_ = 	snop  }
0xcd: {  	[tilespmem:s16], [sflag:$0x1] =	stream.indirect.gather [hbm4b:s4+s15], $0x90, s30, s15, $0xb8;
	[tilespmem:$0x1FB80] =	vst v63  }
0xce: {  	_ =	swait.ge [sflag:s20], $0x4800  }
0xcf: {  	[sflag:s20] =	ssyncset.done $0x0  }
0xd0: {  	[sflag:s20] =	ssyncadd.s32 $0xFFFFB800  }
0xd1: {  	_ =	swait.ge [sflag:s22], $0x4800  }
0xd2: {  	[sflag:s22] =	ssyncset.done $0x0  }
0xd3: {  	[sflag:s22] =	ssyncadd.s32 $0xFFFFB800  }
0xd4: {  	[spmem:s1] =	stream.indirect.scatter.add.f32 [tilespmem:s16], [sflag:$0x3], $0x90, s31, s15, $0xb8;
	[tilespmem:$0x1FB80] =	vst v63  }
0xd5: {  	s8 =	sadd.s32 $0x80, s8  }
0xd6: {  	[tilespmem:s17], [sflag:$0x2] =	stream.indirect.gather [hbm4b:s4+s15], $0x90, s0, s15, $0xb8;
	[tilespmem:$0x1FB80] =	vst v63  }
0xd7: {  	p0 =	sne.s32 s8, $0x500;
	_ =	swait.ge [sflag:s21], $0x4800  }
.Ltmp0:
0xd8: {  	[sflag:s21] =	ssyncset.done $0x0;
	(pc) =	sbr.rel @p0 .LBB2_2-.Ltmp0, $4  }
0xd9: {  	[sflag:s21] =	ssyncadd.s32 $0xFFFFB800  }
0xda: {  	_ =	swait.ge [sflag:s22], $0x4800  }
0xdb: {  	[sflag:s22] =	ssyncset.done $0x0  }
0xdc: {  	[sflag:s22] =	ssyncadd.s32 $0xFFFFB800  }
0xdd: {  	[spmem:s1] =	stream.indirect.scatter.add.f32 [tilespmem:s17], [sflag:$0x3], $0x90, s2, s15, $0xb8;
	[tilespmem:$0x1FB80] =	vst v63  }
0xde: {  	_ =	swait.ge [sflag:s22], $0x4800  }
0xdf: {  	[sflag:s22] =	ssyncset.done $0x0  }
0xe0: {  	[sflag:s22] =	ssyncadd.s32 $0xFFFFB800  }
0xe1: {  	[bflag:$0x0] =	sbarrier.arrive $0xFFFF  }
0xe2: {  	s6 =	rddreg [dreg:$0xd]  }
0xe3: {  	s8 =	rddreg [dreg:$0xf]  }
0xe4: {  	[hbm:s6], [sflag:s11] =	dma.local [spmem:s8], $0x2C70  }
0xe5: {  	_ =	swait.ge [sflag:s12], $0x2C70  }
0xe6: {  	s7 =	smov.u32 s11;
	s5 =	sadd.s32 $0x1, s5;
	s11 =	rddreg [dreg:$0xe]  }
0xe7: {  	p0 =	sne.s32 s5, s11  }
.Ltmp1:
0xe8: {  	_ = 	snop;
	(pc) =	sbr.rel @p0 .LBB2_1-.Ltmp1, $3  }
0xe9: {  	_ =	sdelay $0x1  }
0xea: {  	[sflag:s12] =	ssyncset.done $0x0  }
0xeb: {  	[sflag:s12] =	ssyncadd.s32 $0xFFFFD390  }
0xec: {  	_ =	sfence.sel $0x180000  }
0xed: {  	[bflag:$0x0] =	sbarrier.arrive $0xFFFF  }
0xee: {  	_ =	strace $0x90000047  }
0xef: {  	s0 =	stileid.u32;
	[bflag:$0x2] =	sbarrier.arrive $0xFFFF  }
0xf0: {  	p0 =	sne.s32 s0, $0x0;
	s0 =	rddreg [dreg:$0x3]  }
0xf1: {  	s0 =	sadd.s32 @!p0 $0x100000, s0  }
0xf2: {  	[sflag:s0] =	ssyncadd.tile.s32 @!p0 $0x1;
	_ =	shalt  }
.Lfunc_end2:
_tile_overlayer_lowered:
.L_overlay_start_2:
0xf3: {  	(tag) =	ssettag $0x2  }
0xf4: {  	s0 =	rddreg [dreg:$0x0];
	s2 =	stileid.u32  }
0xf5: {  	s1 =	rddreg [dreg:$0x1];
	p0 =	sne.s32 s2, $0x0  }
0xf6: {  	s3 =	rddreg [dreg:$0x2];
	[bflag:$0x3] =	sbarrier.arrive $0xFFFF;
	s2 =	simm.s32 @!p0 $0x1C06  }
0xf7: {  	[timem:s3], [sflag:s2] =	dma.local @!p0 [hbm:s0], s1  }
0xf8: {  	s0 =	simm.s32 @!p0 $0x6  }
0xf9: {  	_ =	swait.ge @!p0 [sflag:s0], s1  }
0xfa: {  	s1 =	ssub.s32 @!p0 $0x0, s1;
	[sflag:s0] =	ssyncset.done @!p0 $0x0  }
0xfb: {  	[sflag:s0] =	ssyncadd.s32 @!p0 s1  }
0xfc: {  	[bflag:$0x3] =	sbarrier.arrive $0xFFFF  }
0xfd: {  	_ =	shalt  }

</sc_bundles>
